<compile_context>
chip_gen: v7x
topology: tpu7x:2x2x1
jax: 0.10.2.dev20260603
libtpu: 0.0.44.dev20260713+nightly
codegen_flags: <defaults>
</compile_context>

<pallas_src>
import functools

import jax
import jax.numpy as jnp
from jax import lax
from jax.experimental import pallas as pl
from jax.experimental.pallas import tpu as pltpu
from jax.experimental.pallas import tpu_sc as plsc

SEQ_LEN = 200
BATCH = 1024
D_MODEL = 64
DP = 128
NW = 32
TS = 8
TL = 128
NTL = BATCH // TL
NT = (SEQ_LEN // TS) * NTL
KMAX = -(-NT // NW)
NCH = KMAX * TS
NBUF = 7

_mesh = plsc.VectorSubcoreMesh(core_axis_name="c", subcore_axis_name="s")


@functools.partial(
    pl.kernel,
    mesh=_mesh,
    out_type=jax.ShapeDtypeStruct((SEQ_LEN, BATCH, DP), jnp.float32),
    scratch_types=[
        pltpu.VMEM((2, TS, TL), jnp.int32),
        pltpu.VMEM((NBUF, TL, DP), jnp.float32),
        pltpu.SemaphoreType.DMA,
    ],
)
def _gather(table_hbm, idx_hbm, out_hbm, idx_v, rows_v, gsem):
    wid = lax.axis_index("s") * 2 + lax.axis_index("c")

    def load_idx(k):
        t = wid + k * NW

        @pl.when(t < NT)
        def _():
            ts = t // NTL
            tl = t % NTL
            pltpu.sync_copy(
                idx_hbm.at[pl.ds(ts * TS, TS), pl.ds(tl * TL, TL)],
                idx_v.at[lax.rem(k, 2)],
            )

    def start(q):
        k = q // TS
        t = wid + k * NW

        @pl.when(t < NT)
        def _():
            pltpu.async_copy(
                table_hbm.at[idx_v.at[lax.rem(k, 2), lax.rem(q, TS)]],
                rows_v.at[lax.rem(q, NBUF)],
                gsem,
            )

    def finish(q):
        k = q // TS
        t = wid + k * NW

        @pl.when(t < NT)
        def _():
            ts = t // NTL
            tl = t % NTL
            pltpu.make_async_copy(
                table_hbm.at[idx_v.at[lax.rem(k, 2), lax.rem(q, TS)]],
                rows_v.at[lax.rem(q, NBUF)],
                gsem,
            ).wait()
            pltpu.sync_copy(
                rows_v.at[lax.rem(q, NBUF)],
                out_hbm.at[ts * TS + lax.rem(q, TS), pl.ds(tl * TL, TL)],
            )

    load_idx(0)
    for q in range(NBUF):
        start(q)

    def body(g, carry):
        nxt = g + NBUF

        @pl.when(lax.rem(nxt, TS) == 0)
        def _():
            load_idx(nxt // TS)

        finish(g)
        start(nxt)
        return carry

    lax.fori_loop(0, NCH - NBUF, body, 0)

    for q in range(NCH - NBUF, NCH):
        finish(q)


def kernel(input, table):
    table128 = jnp.concatenate([table, table], axis=1)
    out128 = _gather(table128, input)
    return out128[:, :, :D_MODEL]

# --- scband reference (transcript-rebuilt; emitter-appended) ---
"""Pipeline reference for scband-t2vec-embedding-8495445311967 (READ-ONLY COPY).

The authoritative reference and input builder live on the scoring server;
editing this copy changes nothing except your own understanding.
"""

import jax, jax.numpy as jnp
import numpy as np

VOCAB = 1000000
D_MODEL = 64
PAD = 0
SEQ_LEN = 200
BATCH = 1024


def setup_inputs(seed: int = 0) -> dict:
    key = jax.random.key(seed)
    k_idx, k_tab = jax.random.split(key)
    # padded sequence indices, shape (seq_len, batch)
    input = jax.random.randint(k_idx, (SEQ_LEN, BATCH), 0, VOCAB, dtype=jnp.int64) if jax.config.jax_enable_x64 else jax.random.randint(k_idx, (SEQ_LEN, BATCH), 0, VOCAB, dtype=jnp.int32)
    # embedding table; padding_idx row initialized to zeros (torch nn.Embedding semantics)
    table = jax.random.normal(k_tab, (VOCAB, D_MODEL), dtype=jnp.float32)
    table = table.at[PAD].set(0.0)
    return {"input": input, "table": table}


def reference(input, table):
    # torch: self.embedding(input) -> (seq_len, batch, d_model)
    return jnp.take(table, input, axis=0)

if __name__ == "__main__":
    import jax
    _d = setup_inputs()
    print(jax.jit(kernel)(*tuple(_d.values())))

</pallas_src>

<mosaic_0001>
#map = affine_map<(d0, d1) -> (0, 0)>
#map1 = affine_map<(d0, d1) -> (0, 0, 0)>
module attributes {stable_mosaic.version = 14 : i64} {
  func.func @_gather(%arg0: i32, %arg1: i32, %arg2: memref<1000000x128xf32, #tpu.memory_space<hbm>>, %arg3: memref<200x1024xi32, #tpu.memory_space<hbm>>, %arg4: memref<200x1024x128xf32, #tpu.memory_space<hbm>>, %arg5: memref<2x8x128xi32, #tpu.memory_space<vmem>>, %arg6: memref<7x128x128xf32, #tpu.memory_space<vmem>>, %arg7: memref<!tpu.dma_semaphore, #tpu.memory_space<semaphore_mem>>) attributes {dimension_semantics = [#tpu.dimension_semantics<core_parallel>, #tpu.dimension_semantics<subcore_parallel>], iteration_bounds = array<i64: 2, 16>, scalar_prefetch = 0 : i64, scratch_operands = 3 : i64, tpu.core_type = #tpu.core_type<sc_vector_subcore>, window_params = [{transform_indices = #map}, {transform_indices = #map}, {transform_indices = #map1}]} {
    %mul3A = arith.constant 2 : i32
    %mul3A_0 = arith.muli %arg1, %mul3A : i32
    %add3A = arith.addi %mul3A_0, %arg0 : i32
    %add3A_1 = arith.constant 0 : i32
    %add3A_2 = arith.addi %add3A, %add3A_1 : i32
    %lt3A = arith.constant 200 : i32
    %lt3A_3 = arith.cmpi slt, %add3A_2, %lt3A : i32
    %convert_element_type3A = arith.extui %lt3A_3 : i1 to i32
    %cond3A = arith.constant 0 : i32
    %cond3A_4 = arith.cmpi ne, %convert_element_type3A, %cond3A : i32
    scf.if %cond3A_4 {
      %jit3A = arith.constant 8 : i32
      %div3A = arith.divsi %add3A_2, %jit3A : i32
      %sign3A = arith.constant 0 : i32
      %sign3A_108 = arith.cmpi sgt, %add3A_2, %sign3A : i32
      %sign3A_109 = arith.extui %sign3A_108 : i1 to i32
      %sign3A_110 = arith.constant 0 : i32
      %sign3A_111 = arith.cmpi slt, %add3A_2, %sign3A_110 : i32
      %sign3A_112 = arith.extui %sign3A_111 : i1 to i32
      %sign3A_113 = arith.subi %sign3A_109, %sign3A_112 : i32
      %sign3A_114 = arith.constant 0 : i32
      %sign3A_115 = arith.cmpi sgt, %jit3A, %sign3A_114 : i32
      %sign3A_116 = arith.extui %sign3A_115 : i1 to i32
      %sign3A_117 = arith.constant 0 : i32
      %sign3A_118 = arith.cmpi slt, %jit3A, %sign3A_117 : i32
      %sign3A_119 = arith.extui %sign3A_118 : i1 to i32
      %sign3A_120 = arith.subi %sign3A_116, %sign3A_119 : i32
      %ne3A = arith.cmpi ne, %sign3A_113, %sign3A_120 : i32
      %rem3A = arith.remsi %add3A_2, %jit3A : i32
      %ne3A_121 = arith.constant 0 : i32
      %ne3A_122 = arith.cmpi ne, %rem3A, %ne3A_121 : i32
      %and3A = arith.andi %ne3A, %ne3A_122 : i1
      %sub3A = arith.constant 1 : i32
      %sub3A_123 = arith.subi %div3A, %sub3A : i32
      %select_n3A = arith.select %and3A, %sub3A_123, %div3A : i32
      %jit3A_124 = arith.constant 8 : i32
      %eq3A = arith.constant 0 : i32
      %eq3A_125 = arith.cmpi eq, %jit3A_124, %eq3A : i32
      %jit3A_126 = arith.constant 1 : i32
      %select_n3A_127 = arith.select %eq3A_125, %jit3A_126, %jit3A_124 : i32
      %rem3A_128 = arith.remsi %add3A_2, %select_n3A_127 : i32
      %ne3A_129 = arith.constant 0 : i32
      %ne3A_130 = arith.cmpi ne, %rem3A_128, %ne3A_129 : i32
      %lt3A_131 = arith.constant 0 : i32
      %lt3A_132 = arith.cmpi slt, %rem3A_128, %lt3A_131 : i32
      %lt3A_133 = arith.constant 0 : i32
      %lt3A_134 = arith.cmpi slt, %select_n3A_127, %lt3A_133 : i32
      %ne3A_135 = arith.xori %lt3A_132, %lt3A_134 : i1
      %and3A_136 = arith.andi %ne3A_135, %ne3A_130 : i1
      %add3A_137 = arith.addi %rem3A_128, %select_n3A_127 : i32
      %select_n3A_138 = arith.select %and3A_136, %add3A_137, %rem3A_128 : i32
      %mul3A_139 = arith.constant 8 : i32
      %mul3A_140 = arith.muli %select_n3A, %mul3A_139 : i32
      %mul3A_141 = arith.constant 128 : i32
      %mul3A_142 = arith.muli %select_n3A_138, %mul3A_141 : i32
      %rem3A_143 = arith.constant 0 : i32
      %rem3A_144 = arith.constant 2 : i32
      %rem3A_145 = arith.remsi %rem3A_143, %rem3A_144 : i32
      "tpu.region"() ({
        %run_scoped3A = tpu.sem_alloc : memref<!tpu.dma_semaphore, #tpu.memory_space<semaphore_mem>>
        %dma_start3A = arith.constant 0 : i32
        %dma_start3A_146 = arith.constant 0 : i32
        %dma_start3A_147 = tpu.memref_slice %arg5[%rem3A_145, %dma_start3A, %dma_start3A_146] : memref<2x8x128xi32, #tpu.memory_space<vmem>> -> memref<1x8x128xi32, #tpu.memory_space<vmem>>
        %dma_start3A_148 = tpu.memref_squeeze %dma_start3A_147 : memref<1x8x128xi32, #tpu.memory_space<vmem>> -> memref<8x128xi32, #tpu.memory_space<vmem>>
        %dma_start3A_149 = tpu.memref_slice %arg3[%mul3A_140, %mul3A_142] : memref<200x1024xi32, #tpu.memory_space<hbm>> -> memref<8x128xi32, #tpu.memory_space<hbm>>
        %dma_start3A_150 = arith.constant 0 : i32
        %dma_start3A_151 = arith.constant 0 : i32
        %dma_start3A_152 = tpu.memref_slice %arg5[%rem3A_145, %dma_start3A_150, %dma_start3A_151] : memref<2x8x128xi32, #tpu.memory_space<vmem>> -> memref<1x8x128xi32, #tpu.memory_space<vmem>>
        %dma_start3A_153 = tpu.memref_squeeze %dma_start3A_152 : memref<1x8x128xi32, #tpu.memory_space<vmem>> -> memref<8x128xi32, #tpu.memory_space<vmem>>
        %dma_start3A_154 = tpu.memref_slice %arg3[%mul3A_140, %mul3A_142] : memref<200x1024xi32, #tpu.memory_space<hbm>> -> memref<8x128xi32, #tpu.memory_space<hbm>>
        tpu.enqueue_dma source(%dma_start3A_154 : memref<8x128xi32, #tpu.memory_space<hbm>>) target(%dma_start3A_153 : memref<8x128xi32, #tpu.memory_space<vmem>>) target_semaphore(%run_scoped3A : memref<!tpu.dma_semaphore, #tpu.memory_space<semaphore_mem>>)
        %dma_wait3A = arith.constant 0 : i32
        %dma_wait3A_155 = arith.constant 0 : i32
        %dma_wait3A_156 = tpu.memref_slice %arg5[%rem3A_145, %dma_wait3A, %dma_wait3A_155] : memref<2x8x128xi32, #tpu.memory_space<vmem>> -> memref<1x8x128xi32, #tpu.memory_space<vmem>>
        %dma_wait3A_157 = tpu.memref_squeeze %dma_wait3A_156 : memref<1x8x128xi32, #tpu.memory_space<vmem>> -> memref<8x128xi32, #tpu.memory_space<vmem>>
        %dma_wait3A_158 = tpu.memref_slice %arg3[%mul3A_140, %mul3A_142] : memref<200x1024xi32, #tpu.memory_space<hbm>> -> memref<8x128xi32, #tpu.memory_space<hbm>>
        %dma_wait3A_159 = arith.constant 0 : i32
        %dma_wait3A_160 = arith.constant 0 : i32
        %dma_wait3A_161 = tpu.memref_slice %arg5[%rem3A_145, %dma_wait3A_159, %dma_wait3A_160] : memref<2x8x128xi32, #tpu.memory_space<vmem>> -> memref<1x8x128xi32, #tpu.memory_space<vmem>>
        %dma_wait3A_162 = tpu.memref_squeeze %dma_wait3A_161 : memref<1x8x128xi32, #tpu.memory_space<vmem>> -> memref<8x128xi32, #tpu.memory_space<vmem>>
        %dma_wait3A_163 = tpu.memref_slice %arg3[%mul3A_140, %mul3A_142] : memref<200x1024xi32, #tpu.memory_space<hbm>> -> memref<8x128xi32, #tpu.memory_space<hbm>>
        tpu.wait_dma2 semaphore(%run_scoped3A : memref<!tpu.dma_semaphore, #tpu.memory_space<semaphore_mem>>) src(%dma_wait3A_163 : memref<8x128xi32, #tpu.memory_space<hbm>>) dst(%dma_wait3A_162 : memref<8x128xi32, #tpu.memory_space<vmem>>)
        tpu.yield
      }) : () -> ()
    } else {
    }
    %add3A_5 = arith.constant 0 : i32
    %add3A_6 = arith.addi %add3A, %add3A_5 : i32
    %lt3A_7 = arith.constant 200 : i32
    %lt3A_8 = arith.cmpi slt, %add3A_6, %lt3A_7 : i32
    %convert_element_type3A_9 = arith.extui %lt3A_8 : i1 to i32
    %cond3A_10 = arith.constant 0 : i32
    %cond3A_11 = arith.cmpi ne, %convert_element_type3A_9, %cond3A_10 : i32
    scf.if %cond3A_11 {
      %rem3A = arith.constant 0 : i32
      %rem3A_108 = arith.constant 2 : i32
      %rem3A_109 = arith.remsi %rem3A, %rem3A_108 : i32
      %rem3A_110 = arith.constant 0 : i32
      %rem3A_111 = arith.constant 8 : i32
      %rem3A_112 = arith.remsi %rem3A_110, %rem3A_111 : i32
      %rem3A_113 = arith.constant 0 : i32
      %rem3A_114 = arith.constant 7 : i32
      %rem3A_115 = arith.remsi %rem3A_113, %rem3A_114 : i32
      %dma_start3A = arith.constant 0 : i32
      %dma_start3A_116 = arith.constant 0 : i32
      %dma_start3A_117 = tpu.memref_slice %arg6[%rem3A_115, %dma_start3A, %dma_start3A_116] : memref<7x128x128xf32, #tpu.memory_space<vmem>> -> memref<1x128x128xf32, #tpu.memory_space<vmem>>
      %dma_start3A_118 = tpu.memref_squeeze %dma_start3A_117 : memref<1x128x128xf32, #tpu.memory_space<vmem>> -> memref<128x128xf32, #tpu.memory_space<vmem>>
      %dma_start3A_119 = arith.constant 0 : i32
      %dma_start3A_120 = tpu.memref_slice %arg5[%rem3A_109, %rem3A_112, %dma_start3A_119] : memref<2x8x128xi32, #tpu.memory_space<vmem>> -> memref<1x1x128xi32, #tpu.memory_space<vmem>>
      %dma_start3A_121 = tpu.memref_squeeze %dma_start3A_120 : memref<1x1x128xi32, #tpu.memory_space<vmem>> -> memref<128xi32, #tpu.memory_space<vmem>>
      %dma_start3A_122 = arith.constant 0 : i32
      %dma_start3A_123 = arith.constant 0 : i32
      %dma_start3A_124 = tpu.memref_slice %arg2[%dma_start3A_122, %dma_start3A_123] : memref<1000000x128xf32, #tpu.memory_space<hbm>> -> memref<1000000x128xf32, #tpu.memory_space<hbm>>
      tpu.enqueue_indirect_dma source(%dma_start3A_124 : memref<1000000x128xf32, #tpu.memory_space<hbm>>) target(%dma_start3A_118 : memref<128x128xf32, #tpu.memory_space<vmem>>) offsets(%dma_start3A_121 : memref<128xi32, #tpu.memory_space<vmem>>) semaphore(%arg7 : memref<!tpu.dma_semaphore, #tpu.memory_space<semaphore_mem>>)
    } else {
    }
    %add3A_12 = arith.constant 0 : i32
    %add3A_13 = arith.addi %add3A, %add3A_12 : i32
    %lt3A_14 = arith.constant 200 : i32
    %lt3A_15 = arith.cmpi slt, %add3A_13, %lt3A_14 : i32
    %convert_element_type3A_16 = arith.extui %lt3A_15 : i1 to i32
    %cond3A_17 = arith.constant 0 : i32
    %cond3A_18 = arith.cmpi ne, %convert_element_type3A_16, %cond3A_17 : i32
    scf.if %cond3A_18 {
      %rem3A = arith.constant 0 : i32
      %rem3A_108 = arith.constant 2 : i32
      %rem3A_109 = arith.remsi %rem3A, %rem3A_108 : i32
      %rem3A_110 = arith.constant 1 : i32
      %rem3A_111 = arith.constant 8 : i32
      %rem3A_112 = arith.remsi %rem3A_110, %rem3A_111 : i32
      %rem3A_113 = arith.constant 1 : i32
      %rem3A_114 = arith.constant 7 : i32
      %rem3A_115 = arith.remsi %rem3A_113, %rem3A_114 : i32
      %dma_start3A = arith.constant 0 : i32
      %dma_start3A_116 = arith.constant 0 : i32
      %dma_start3A_117 = tpu.memref_slice %arg6[%rem3A_115, %dma_start3A, %dma_start3A_116] : memref<7x128x128xf32, #tpu.memory_space<vmem>> -> memref<1x128x128xf32, #tpu.memory_space<vmem>>
      %dma_start3A_118 = tpu.memref_squeeze %dma_start3A_117 : memref<1x128x128xf32, #tpu.memory_space<vmem>> -> memref<128x128xf32, #tpu.memory_space<vmem>>
      %dma_start3A_119 = arith.constant 0 : i32
      %dma_start3A_120 = tpu.memref_slice %arg5[%rem3A_109, %rem3A_112, %dma_start3A_119] : memref<2x8x128xi32, #tpu.memory_space<vmem>> -> memref<1x1x128xi32, #tpu.memory_space<vmem>>
      %dma_start3A_121 = tpu.memref_squeeze %dma_start3A_120 : memref<1x1x128xi32, #tpu.memory_space<vmem>> -> memref<128xi32, #tpu.memory_space<vmem>>
      %dma_start3A_122 = arith.constant 0 : i32
      %dma_start3A_123 = arith.constant 0 : i32
      %dma_start3A_124 = tpu.memref_slice %arg2[%dma_start3A_122, %dma_start3A_123] : memref<1000000x128xf32, #tpu.memory_space<hbm>> -> memref<1000000x128xf32, #tpu.memory_space<hbm>>
      tpu.enqueue_indirect_dma source(%dma_start3A_124 : memref<1000000x128xf32, #tpu.memory_space<hbm>>) target(%dma_start3A_118 : memref<128x128xf32, #tpu.memory_space<vmem>>) offsets(%dma_start3A_121 : memref<128xi32, #tpu.memory_space<vmem>>) semaphore(%arg7 : memref<!tpu.dma_semaphore, #tpu.memory_space<semaphore_mem>>)
    } else {
    }
    %add3A_19 = arith.constant 0 : i32
    %add3A_20 = arith.addi %add3A, %add3A_19 : i32
    %lt3A_21 = arith.constant 200 : i32
    %lt3A_22 = arith.cmpi slt, %add3A_20, %lt3A_21 : i32
    %convert_element_type3A_23 = arith.extui %lt3A_22 : i1 to i32
    %cond3A_24 = arith.constant 0 : i32
    %cond3A_25 = arith.cmpi ne, %convert_element_type3A_23, %cond3A_24 : i32
    scf.if %cond3A_25 {
      %rem3A = arith.constant 0 : i32
      %rem3A_108 = arith.constant 2 : i32
      %rem3A_109 = arith.remsi %rem3A, %rem3A_108 : i32
      %rem3A_110 = arith.constant 2 : i32
      %rem3A_111 = arith.constant 8 : i32
      %rem3A_112 = arith.remsi %rem3A_110, %rem3A_111 : i32
      %rem3A_113 = arith.constant 2 : i32
      %rem3A_114 = arith.constant 7 : i32
      %rem3A_115 = arith.remsi %rem3A_113, %rem3A_114 : i32
      %dma_start3A = arith.constant 0 : i32
      %dma_start3A_116 = arith.constant 0 : i32
      %dma_start3A_117 = tpu.memref_slice %arg6[%rem3A_115, %dma_start3A, %dma_start3A_116] : memref<7x128x128xf32, #tpu.memory_space<vmem>> -> memref<1x128x128xf32, #tpu.memory_space<vmem>>
      %dma_start3A_118 = tpu.memref_squeeze %dma_start3A_117 : memref<1x128x128xf32, #tpu.memory_space<vmem>> -> memref<128x128xf32, #tpu.memory_space<vmem>>
      %dma_start3A_119 = arith.constant 0 : i32
      %dma_start3A_120 = tpu.memref_slice %arg5[%rem3A_109, %rem3A_112, %dma_start3A_119] : memref<2x8x128xi32, #tpu.memory_space<vmem>> -> memref<1x1x128xi32, #tpu.memory_space<vmem>>
      %dma_start3A_121 = tpu.memref_squeeze %dma_start3A_120 : memref<1x1x128xi32, #tpu.memory_space<vmem>> -> memref<128xi32, #tpu.memory_space<vmem>>
      %dma_start3A_122 = arith.constant 0 : i32
      %dma_start3A_123 = arith.constant 0 : i32
      %dma_start3A_124 = tpu.memref_slice %arg2[%dma_start3A_122, %dma_start3A_123] : memref<1000000x128xf32, #tpu.memory_space<hbm>> -> memref<1000000x128xf32, #tpu.memory_space<hbm>>
      tpu.enqueue_indirect_dma source(%dma_start3A_124 : memref<1000000x128xf32, #tpu.memory_space<hbm>>) target(%dma_start3A_118 : memref<128x128xf32, #tpu.memory_space<vmem>>) offsets(%dma_start3A_121 : memref<128xi32, #tpu.memory_space<vmem>>) semaphore(%arg7 : memref<!tpu.dma_semaphore, #tpu.memory_space<semaphore_mem>>)
    } else {
    }
    %add3A_26 = arith.constant 0 : i32
    %add3A_27 = arith.addi %add3A, %add3A_26 : i32
    %lt3A_28 = arith.constant 200 : i32
    %lt3A_29 = arith.cmpi slt, %add3A_27, %lt3A_28 : i32
    %convert_element_type3A_30 = arith.extui %lt3A_29 : i1 to i32
    %cond3A_31 = arith.constant 0 : i32
    %cond3A_32 = arith.cmpi ne, %convert_element_type3A_30, %cond3A_31 : i32
    scf.if %cond3A_32 {
      %rem3A = arith.constant 0 : i32
      %rem3A_108 = arith.constant 2 : i32
      %rem3A_109 = arith.remsi %rem3A, %rem3A_108 : i32
      %rem3A_110 = arith.constant 3 : i32
      %rem3A_111 = arith.constant 8 : i32
      %rem3A_112 = arith.remsi %rem3A_110, %rem3A_111 : i32
      %rem3A_113 = arith.constant 3 : i32
      %rem3A_114 = arith.constant 7 : i32
      %rem3A_115 = arith.remsi %rem3A_113, %rem3A_114 : i32
      %dma_start3A = arith.constant 0 : i32
      %dma_start3A_116 = arith.constant 0 : i32
      %dma_start3A_117 = tpu.memref_slice %arg6[%rem3A_115, %dma_start3A, %dma_start3A_116] : memref<7x128x128xf32, #tpu.memory_space<vmem>> -> memref<1x128x128xf32, #tpu.memory_space<vmem>>
      %dma_start3A_118 = tpu.memref_squeeze %dma_start3A_117 : memref<1x128x128xf32, #tpu.memory_space<vmem>> -> memref<128x128xf32, #tpu.memory_space<vmem>>
      %dma_start3A_119 = arith.constant 0 : i32
      %dma_start3A_120 = tpu.memref_slice %arg5[%rem3A_109, %rem3A_112, %dma_start3A_119] : memref<2x8x128xi32, #tpu.memory_space<vmem>> -> memref<1x1x128xi32, #tpu.memory_space<vmem>>
      %dma_start3A_121 = tpu.memref_squeeze %dma_start3A_120 : memref<1x1x128xi32, #tpu.memory_space<vmem>> -> memref<128xi32, #tpu.memory_space<vmem>>
      %dma_start3A_122 = arith.constant 0 : i32
      %dma_start3A_123 = arith.constant 0 : i32
      %dma_start3A_124 = tpu.memref_slice %arg2[%dma_start3A_122, %dma_start3A_123] : memref<1000000x128xf32, #tpu.memory_space<hbm>> -> memref<1000000x128xf32, #tpu.memory_space<hbm>>
      tpu.enqueue_indirect_dma source(%dma_start3A_124 : memref<1000000x128xf32, #tpu.memory_space<hbm>>) target(%dma_start3A_118 : memref<128x128xf32, #tpu.memory_space<vmem>>) offsets(%dma_start3A_121 : memref<128xi32, #tpu.memory_space<vmem>>) semaphore(%arg7 : memref<!tpu.dma_semaphore, #tpu.memory_space<semaphore_mem>>)
    } else {
    }
    %add3A_33 = arith.constant 0 : i32
    %add3A_34 = arith.addi %add3A, %add3A_33 : i32
    %lt3A_35 = arith.constant 200 : i32
    %lt3A_36 = arith.cmpi slt, %add3A_34, %lt3A_35 : i32
    %convert_element_type3A_37 = arith.extui %lt3A_36 : i1 to i32
    %cond3A_38 = arith.constant 0 : i32
    %cond3A_39 = arith.cmpi ne, %convert_element_type3A_37, %cond3A_38 : i32
    scf.if %cond3A_39 {
      %rem3A = arith.constant 0 : i32
      %rem3A_108 = arith.constant 2 : i32
      %rem3A_109 = arith.remsi %rem3A, %rem3A_108 : i32
      %rem3A_110 = arith.constant 4 : i32
      %rem3A_111 = arith.constant 8 : i32
      %rem3A_112 = arith.remsi %rem3A_110, %rem3A_111 : i32
      %rem3A_113 = arith.constant 4 : i32
      %rem3A_114 = arith.constant 7 : i32
      %rem3A_115 = arith.remsi %rem3A_113, %rem3A_114 : i32
      %dma_start3A = arith.constant 0 : i32
      %dma_start3A_116 = arith.constant 0 : i32
      %dma_start3A_117 = tpu.memref_slice %arg6[%rem3A_115, %dma_start3A, %dma_start3A_116] : memref<7x128x128xf32, #tpu.memory_space<vmem>> -> memref<1x128x128xf32, #tpu.memory_space<vmem>>
      %dma_start3A_118 = tpu.memref_squeeze %dma_start3A_117 : memref<1x128x128xf32, #tpu.memory_space<vmem>> -> memref<128x128xf32, #tpu.memory_space<vmem>>
      %dma_start3A_119 = arith.constant 0 : i32
      %dma_start3A_120 = tpu.memref_slice %arg5[%rem3A_109, %rem3A_112, %dma_start3A_119] : memref<2x8x128xi32, #tpu.memory_space<vmem>> -> memref<1x1x128xi32, #tpu.memory_space<vmem>>
      %dma_start3A_121 = tpu.memref_squeeze %dma_start3A_120 : memref<1x1x128xi32, #tpu.memory_space<vmem>> -> memref<128xi32, #tpu.memory_space<vmem>>
      %dma_start3A_122 = arith.constant 0 : i32
      %dma_start3A_123 = arith.constant 0 : i32
      %dma_start3A_124 = tpu.memref_slice %arg2[%dma_start3A_122, %dma_start3A_123] : memref<1000000x128xf32, #tpu.memory_space<hbm>> -> memref<1000000x128xf32, #tpu.memory_space<hbm>>
      tpu.enqueue_indirect_dma source(%dma_start3A_124 : memref<1000000x128xf32, #tpu.memory_space<hbm>>) target(%dma_start3A_118 : memref<128x128xf32, #tpu.memory_space<vmem>>) offsets(%dma_start3A_121 : memref<128xi32, #tpu.memory_space<vmem>>) semaphore(%arg7 : memref<!tpu.dma_semaphore, #tpu.memory_space<semaphore_mem>>)
    } else {
    }
    %add3A_40 = arith.constant 0 : i32
    %add3A_41 = arith.addi %add3A, %add3A_40 : i32
    %lt3A_42 = arith.constant 200 : i32
    %lt3A_43 = arith.cmpi slt, %add3A_41, %lt3A_42 : i32
    %convert_element_type3A_44 = arith.extui %lt3A_43 : i1 to i32
    %cond3A_45 = arith.constant 0 : i32
    %cond3A_46 = arith.cmpi ne, %convert_element_type3A_44, %cond3A_45 : i32
    scf.if %cond3A_46 {
      %rem3A = arith.constant 0 : i32
      %rem3A_108 = arith.constant 2 : i32
      %rem3A_109 = arith.remsi %rem3A, %rem3A_108 : i32
      %rem3A_110 = arith.constant 5 : i32
      %rem3A_111 = arith.constant 8 : i32
      %rem3A_112 = arith.remsi %rem3A_110, %rem3A_111 : i32
      %rem3A_113 = arith.constant 5 : i32
      %rem3A_114 = arith.constant 7 : i32
      %rem3A_115 = arith.remsi %rem3A_113, %rem3A_114 : i32
      %dma_start3A = arith.constant 0 : i32
      %dma_start3A_116 = arith.constant 0 : i32
      %dma_start3A_117 = tpu.memref_slice %arg6[%rem3A_115, %dma_start3A, %dma_start3A_116] : memref<7x128x128xf32, #tpu.memory_space<vmem>> -> memref<1x128x128xf32, #tpu.memory_space<vmem>>
      %dma_start3A_118 = tpu.memref_squeeze %dma_start3A_117 : memref<1x128x128xf32, #tpu.memory_space<vmem>> -> memref<128x128xf32, #tpu.memory_space<vmem>>
      %dma_start3A_119 = arith.constant 0 : i32
      %dma_start3A_120 = tpu.memref_slice %arg5[%rem3A_109, %rem3A_112, %dma_start3A_119] : memref<2x8x128xi32, #tpu.memory_space<vmem>> -> memref<1x1x128xi32, #tpu.memory_space<vmem>>
      %dma_start3A_121 = tpu.memref_squeeze %dma_start3A_120 : memref<1x1x128xi32, #tpu.memory_space<vmem>> -> memref<128xi32, #tpu.memory_space<vmem>>
      %dma_start3A_122 = arith.constant 0 : i32
      %dma_start3A_123 = arith.constant 0 : i32
      %dma_start3A_124 = tpu.memref_slice %arg2[%dma_start3A_122, %dma_start3A_123] : memref<1000000x128xf32, #tpu.memory_space<hbm>> -> memref<1000000x128xf32, #tpu.memory_space<hbm>>
      tpu.enqueue_indirect_dma source(%dma_start3A_124 : memref<1000000x128xf32, #tpu.memory_space<hbm>>) target(%dma_start3A_118 : memref<128x128xf32, #tpu.memory_space<vmem>>) offsets(%dma_start3A_121 : memref<128xi32, #tpu.memory_space<vmem>>) semaphore(%arg7 : memref<!tpu.dma_semaphore, #tpu.memory_space<semaphore_mem>>)
    } else {
    }
    %add3A_47 = arith.constant 0 : i32
    %add3A_48 = arith.addi %add3A, %add3A_47 : i32
    %lt3A_49 = arith.constant 200 : i32
    %lt3A_50 = arith.cmpi slt, %add3A_48, %lt3A_49 : i32
    %convert_element_type3A_51 = arith.extui %lt3A_50 : i1 to i32
    %cond3A_52 = arith.constant 0 : i32
    %cond3A_53 = arith.cmpi ne, %convert_element_type3A_51, %cond3A_52 : i32
    scf.if %cond3A_53 {
      %rem3A = arith.constant 0 : i32
      %rem3A_108 = arith.constant 2 : i32
      %rem3A_109 = arith.remsi %rem3A, %rem3A_108 : i32
      %rem3A_110 = arith.constant 6 : i32
      %rem3A_111 = arith.constant 8 : i32
      %rem3A_112 = arith.remsi %rem3A_110, %rem3A_111 : i32
      %rem3A_113 = arith.constant 6 : i32
      %rem3A_114 = arith.constant 7 : i32
      %rem3A_115 = arith.remsi %rem3A_113, %rem3A_114 : i32
      %dma_start3A = arith.constant 0 : i32
      %dma_start3A_116 = arith.constant 0 : i32
      %dma_start3A_117 = tpu.memref_slice %arg6[%rem3A_115, %dma_start3A, %dma_start3A_116] : memref<7x128x128xf32, #tpu.memory_space<vmem>> -> memref<1x128x128xf32, #tpu.memory_space<vmem>>
      %dma_start3A_118 = tpu.memref_squeeze %dma_start3A_117 : memref<1x128x128xf32, #tpu.memory_space<vmem>> -> memref<128x128xf32, #tpu.memory_space<vmem>>
      %dma_start3A_119 = arith.constant 0 : i32
      %dma_start3A_120 = tpu.memref_slice %arg5[%rem3A_109, %rem3A_112, %dma_start3A_119] : memref<2x8x128xi32, #tpu.memory_space<vmem>> -> memref<1x1x128xi32, #tpu.memory_space<vmem>>
      %dma_start3A_121 = tpu.memref_squeeze %dma_start3A_120 : memref<1x1x128xi32, #tpu.memory_space<vmem>> -> memref<128xi32, #tpu.memory_space<vmem>>
      %dma_start3A_122 = arith.constant 0 : i32
      %dma_start3A_123 = arith.constant 0 : i32
      %dma_start3A_124 = tpu.memref_slice %arg2[%dma_start3A_122, %dma_start3A_123] : memref<1000000x128xf32, #tpu.memory_space<hbm>> -> memref<1000000x128xf32, #tpu.memory_space<hbm>>
      tpu.enqueue_indirect_dma source(%dma_start3A_124 : memref<1000000x128xf32, #tpu.memory_space<hbm>>) target(%dma_start3A_118 : memref<128x128xf32, #tpu.memory_space<vmem>>) offsets(%dma_start3A_121 : memref<128xi32, #tpu.memory_space<vmem>>) semaphore(%arg7 : memref<!tpu.dma_semaphore, #tpu.memory_space<semaphore_mem>>)
    } else {
    }
    %scan3A = arith.constant 0 : i32
    %scan3A_54 = arith.constant 0 : i32
    %scan3A_55 = arith.constant 49 : i32
    %scan3A_56 = arith.addi %scan3A_54, %scan3A_55 : i32
    %scan3A_57 = arith.constant 1 : i32
    scf.for %scan3A_108 = %scan3A_54 to %scan3A_56 step %scan3A_57  : i32 {
      %add3A_109 = arith.constant 7 : i32
      %add3A_110 = arith.addi %scan3A_108, %add3A_109 : i32
      %rem3A = arith.constant 8 : i32
      %rem3A_111 = arith.remsi %add3A_110, %rem3A : i32
      %eq3A = arith.constant 0 : i32
      %eq3A_112 = arith.cmpi eq, %rem3A_111, %eq3A : i32
      %convert_element_type3A_113 = arith.extui %eq3A_112 : i1 to i32
      %cond3A_114 = arith.constant 0 : i32
      %cond3A_115 = arith.cmpi ne, %convert_element_type3A_113, %cond3A_114 : i32
      scf.if %cond3A_115 {
        %jit3A_173 = arith.constant 8 : i32
        %div3A_174 = arith.divsi %add3A_110, %jit3A_173 : i32
        %sign3A_175 = arith.constant 0 : i32
        %sign3A_176 = arith.cmpi sgt, %add3A_110, %sign3A_175 : i32
        %sign3A_177 = arith.extui %sign3A_176 : i1 to i32
        %sign3A_178 = arith.constant 0 : i32
        %sign3A_179 = arith.cmpi slt, %add3A_110, %sign3A_178 : i32
        %sign3A_180 = arith.extui %sign3A_179 : i1 to i32
        %sign3A_181 = arith.subi %sign3A_177, %sign3A_180 : i32
        %sign3A_182 = arith.constant 0 : i32
        %sign3A_183 = arith.cmpi sgt, %jit3A_173, %sign3A_182 : i32
        %sign3A_184 = arith.extui %sign3A_183 : i1 to i32
        %sign3A_185 = arith.constant 0 : i32
        %sign3A_186 = arith.cmpi slt, %jit3A_173, %sign3A_185 : i32
        %sign3A_187 = arith.extui %sign3A_186 : i1 to i32
        %sign3A_188 = arith.subi %sign3A_184, %sign3A_187 : i32
        %ne3A_189 = arith.cmpi ne, %sign3A_181, %sign3A_188 : i32
        %rem3A_190 = arith.remsi %add3A_110, %jit3A_173 : i32
        %ne3A_191 = arith.constant 0 : i32
        %ne3A_192 = arith.cmpi ne, %rem3A_190, %ne3A_191 : i32
        %and3A_193 = arith.andi %ne3A_189, %ne3A_192 : i1
        %sub3A_194 = arith.constant 1 : i32
        %sub3A_195 = arith.subi %div3A_174, %sub3A_194 : i32
        %select_n3A_196 = arith.select %and3A_193, %sub3A_195, %div3A_174 : i32
        %mul3A_197 = arith.constant 32 : i32
        %mul3A_198 = arith.muli %select_n3A_196, %mul3A_197 : i32
        %add3A_199 = arith.addi %add3A, %mul3A_198 : i32
        %lt3A_200 = arith.constant 200 : i32
        %lt3A_201 = arith.cmpi slt, %add3A_199, %lt3A_200 : i32
        %convert_element_type3A_202 = arith.extui %lt3A_201 : i1 to i32
        %cond3A_203 = arith.constant 0 : i32
        %cond3A_204 = arith.cmpi ne, %convert_element_type3A_202, %cond3A_203 : i32
        scf.if %cond3A_204 {
          %jit3A_205 = arith.constant 8 : i32
          %div3A_206 = arith.divsi %add3A_199, %jit3A_205 : i32
          %sign3A_207 = arith.constant 0 : i32
          %sign3A_208 = arith.cmpi sgt, %add3A_199, %sign3A_207 : i32
          %sign3A_209 = arith.extui %sign3A_208 : i1 to i32
          %sign3A_210 = arith.constant 0 : i32
          %sign3A_211 = arith.cmpi slt, %add3A_199, %sign3A_210 : i32
          %sign3A_212 = arith.extui %sign3A_211 : i1 to i32
          %sign3A_213 = arith.subi %sign3A_209, %sign3A_212 : i32
          %sign3A_214 = arith.constant 0 : i32
          %sign3A_215 = arith.cmpi sgt, %jit3A_205, %sign3A_214 : i32
          %sign3A_216 = arith.extui %sign3A_215 : i1 to i32
          %sign3A_217 = arith.constant 0 : i32
          %sign3A_218 = arith.cmpi slt, %jit3A_205, %sign3A_217 : i32
          %sign3A_219 = arith.extui %sign3A_218 : i1 to i32
          %sign3A_220 = arith.subi %sign3A_216, %sign3A_219 : i32
          %ne3A_221 = arith.cmpi ne, %sign3A_213, %sign3A_220 : i32
          %rem3A_222 = arith.remsi %add3A_199, %jit3A_205 : i32
          %ne3A_223 = arith.constant 0 : i32
          %ne3A_224 = arith.cmpi ne, %rem3A_222, %ne3A_223 : i32
          %and3A_225 = arith.andi %ne3A_221, %ne3A_224 : i1
          %sub3A_226 = arith.constant 1 : i32
          %sub3A_227 = arith.subi %div3A_206, %sub3A_226 : i32
          %select_n3A_228 = arith.select %and3A_225, %sub3A_227, %div3A_206 : i32
          %jit3A_229 = arith.constant 8 : i32
          %eq3A_230 = arith.constant 0 : i32
          %eq3A_231 = arith.cmpi eq, %jit3A_229, %eq3A_230 : i32
          %jit3A_232 = arith.constant 1 : i32
          %select_n3A_233 = arith.select %eq3A_231, %jit3A_232, %jit3A_229 : i32
          %rem3A_234 = arith.remsi %add3A_199, %select_n3A_233 : i32
          %ne3A_235 = arith.constant 0 : i32
          %ne3A_236 = arith.cmpi ne, %rem3A_234, %ne3A_235 : i32
          %lt3A_237 = arith.constant 0 : i32
          %lt3A_238 = arith.cmpi slt, %rem3A_234, %lt3A_237 : i32
          %lt3A_239 = arith.constant 0 : i32
          %lt3A_240 = arith.cmpi slt, %select_n3A_233, %lt3A_239 : i32
          %ne3A_241 = arith.xori %lt3A_238, %lt3A_240 : i1
          %and3A_242 = arith.andi %ne3A_241, %ne3A_236 : i1
          %add3A_243 = arith.addi %rem3A_234, %select_n3A_233 : i32
          %select_n3A_244 = arith.select %and3A_242, %add3A_243, %rem3A_234 : i32
          %mul3A_245 = arith.constant 8 : i32
          %mul3A_246 = arith.muli %select_n3A_228, %mul3A_245 : i32
          %mul3A_247 = arith.constant 128 : i32
          %mul3A_248 = arith.muli %select_n3A_244, %mul3A_247 : i32
          %rem3A_249 = arith.constant 2 : i32
          %rem3A_250 = arith.remsi %select_n3A_196, %rem3A_249 : i32
          "tpu.region"() ({
            %run_scoped3A = tpu.sem_alloc : memref<!tpu.dma_semaphore, #tpu.memory_space<semaphore_mem>>
            %dma_start3A = arith.constant 0 : i32
            %dma_start3A_251 = arith.constant 0 : i32
            %dma_start3A_252 = tpu.memref_slice %arg5[%rem3A_250, %dma_start3A, %dma_start3A_251] : memref<2x8x128xi32, #tpu.memory_space<vmem>> -> memref<1x8x128xi32, #tpu.memory_space<vmem>>
            %dma_start3A_253 = tpu.memref_squeeze %dma_start3A_252 : memref<1x8x128xi32, #tpu.memory_space<vmem>> -> memref<8x128xi32, #tpu.memory_space<vmem>>
            %dma_start3A_254 = tpu.memref_slice %arg3[%mul3A_246, %mul3A_248] : memref<200x1024xi32, #tpu.memory_space<hbm>> -> memref<8x128xi32, #tpu.memory_space<hbm>>
            %dma_start3A_255 = arith.constant 0 : i32
            %dma_start3A_256 = arith.constant 0 : i32
            %dma_start3A_257 = tpu.memref_slice %arg5[%rem3A_250, %dma_start3A_255, %dma_start3A_256] : memref<2x8x128xi32, #tpu.memory_space<vmem>> -> memref<1x8x128xi32, #tpu.memory_space<vmem>>
            %dma_start3A_258 = tpu.memref_squeeze %dma_start3A_257 : memref<1x8x128xi32, #tpu.memory_space<vmem>> -> memref<8x128xi32, #tpu.memory_space<vmem>>
            %dma_start3A_259 = tpu.memref_slice %arg3[%mul3A_246, %mul3A_248] : memref<200x1024xi32, #tpu.memory_space<hbm>> -> memref<8x128xi32, #tpu.memory_space<hbm>>
            tpu.enqueue_dma source(%dma_start3A_259 : memref<8x128xi32, #tpu.memory_space<hbm>>) target(%dma_start3A_258 : memref<8x128xi32, #tpu.memory_space<vmem>>) target_semaphore(%run_scoped3A : memref<!tpu.dma_semaphore, #tpu.memory_space<semaphore_mem>>)
            %dma_wait3A = arith.constant 0 : i32
            %dma_wait3A_260 = arith.constant 0 : i32
            %dma_wait3A_261 = tpu.memref_slice %arg5[%rem3A_250, %dma_wait3A, %dma_wait3A_260] : memref<2x8x128xi32, #tpu.memory_space<vmem>> -> memref<1x8x128xi32, #tpu.memory_space<vmem>>
            %dma_wait3A_262 = tpu.memref_squeeze %dma_wait3A_261 : memref<1x8x128xi32, #tpu.memory_space<vmem>> -> memref<8x128xi32, #tpu.memory_space<vmem>>
            %dma_wait3A_263 = tpu.memref_slice %arg3[%mul3A_246, %mul3A_248] : memref<200x1024xi32, #tpu.memory_space<hbm>> -> memref<8x128xi32, #tpu.memory_space<hbm>>
            %dma_wait3A_264 = arith.constant 0 : i32
            %dma_wait3A_265 = arith.constant 0 : i32
            %dma_wait3A_266 = tpu.memref_slice %arg5[%rem3A_250, %dma_wait3A_264, %dma_wait3A_265] : memref<2x8x128xi32, #tpu.memory_space<vmem>> -> memref<1x8x128xi32, #tpu.memory_space<vmem>>
            %dma_wait3A_267 = tpu.memref_squeeze %dma_wait3A_266 : memref<1x8x128xi32, #tpu.memory_space<vmem>> -> memref<8x128xi32, #tpu.memory_space<vmem>>
            %dma_wait3A_268 = tpu.memref_slice %arg3[%mul3A_246, %mul3A_248] : memref<200x1024xi32, #tpu.memory_space<hbm>> -> memref<8x128xi32, #tpu.memory_space<hbm>>
            tpu.wait_dma2 semaphore(%run_scoped3A : memref<!tpu.dma_semaphore, #tpu.memory_space<semaphore_mem>>) src(%dma_wait3A_268 : memref<8x128xi32, #tpu.memory_space<hbm>>) dst(%dma_wait3A_267 : memref<8x128xi32, #tpu.memory_space<vmem>>)
            tpu.yield
          }) : () -> ()
        } else {
        }
      } else {
      }
      %jit3A = arith.constant 8 : i32
      %div3A = arith.divsi %scan3A_108, %jit3A : i32
      %sign3A = arith.constant 0 : i32
      %sign3A_116 = arith.cmpi sgt, %scan3A_108, %sign3A : i32
      %sign3A_117 = arith.extui %sign3A_116 : i1 to i32
      %sign3A_118 = arith.constant 0 : i32
      %sign3A_119 = arith.cmpi slt, %scan3A_108, %sign3A_118 : i32
      %sign3A_120 = arith.extui %sign3A_119 : i1 to i32
      %sign3A_121 = arith.subi %sign3A_117, %sign3A_120 : i32
      %sign3A_122 = arith.constant 0 : i32
      %sign3A_123 = arith.cmpi sgt, %jit3A, %sign3A_122 : i32
      %sign3A_124 = arith.extui %sign3A_123 : i1 to i32
      %sign3A_125 = arith.constant 0 : i32
      %sign3A_126 = arith.cmpi slt, %jit3A, %sign3A_125 : i32
      %sign3A_127 = arith.extui %sign3A_126 : i1 to i32
      %sign3A_128 = arith.subi %sign3A_124, %sign3A_127 : i32
      %ne3A = arith.cmpi ne, %sign3A_121, %sign3A_128 : i32
      %rem3A_129 = arith.remsi %scan3A_108, %jit3A : i32
      %ne3A_130 = arith.constant 0 : i32
      %ne3A_131 = arith.cmpi ne, %rem3A_129, %ne3A_130 : i32
      %and3A = arith.andi %ne3A, %ne3A_131 : i1
      %sub3A = arith.constant 1 : i32
      %sub3A_132 = arith.subi %div3A, %sub3A : i32
      %select_n3A = arith.select %and3A, %sub3A_132, %div3A : i32
      %mul3A_133 = arith.constant 32 : i32
      %mul3A_134 = arith.muli %select_n3A, %mul3A_133 : i32
      %add3A_135 = arith.addi %add3A, %mul3A_134 : i32
      %lt3A_136 = arith.constant 200 : i32
      %lt3A_137 = arith.cmpi slt, %add3A_135, %lt3A_136 : i32
      %convert_element_type3A_138 = arith.extui %lt3A_137 : i1 to i32
      %cond3A_139 = arith.constant 0 : i32
      %cond3A_140 = arith.cmpi ne, %convert_element_type3A_138, %cond3A_139 : i32
      scf.if %cond3A_140 {
        %jit3A_173 = arith.constant 8 : i32
        %div3A_174 = arith.divsi %add3A_135, %jit3A_173 : i32
        %sign3A_175 = arith.constant 0 : i32
        %sign3A_176 = arith.cmpi sgt, %add3A_135, %sign3A_175 : i32
        %sign3A_177 = arith.extui %sign3A_176 : i1 to i32
        %sign3A_178 = arith.constant 0 : i32
        %sign3A_179 = arith.cmpi slt, %add3A_135, %sign3A_178 : i32
        %sign3A_180 = arith.extui %sign3A_179 : i1 to i32
        %sign3A_181 = arith.subi %sign3A_177, %sign3A_180 : i32
        %sign3A_182 = arith.constant 0 : i32
        %sign3A_183 = arith.cmpi sgt, %jit3A_173, %sign3A_182 : i32
        %sign3A_184 = arith.extui %sign3A_183 : i1 to i32
        %sign3A_185 = arith.constant 0 : i32
        %sign3A_186 = arith.cmpi slt, %jit3A_173, %sign3A_185 : i32
        %sign3A_187 = arith.extui %sign3A_186 : i1 to i32
        %sign3A_188 = arith.subi %sign3A_184, %sign3A_187 : i32
        %ne3A_189 = arith.cmpi ne, %sign3A_181, %sign3A_188 : i32
        %rem3A_190 = arith.remsi %add3A_135, %jit3A_173 : i32
        %ne3A_191 = arith.constant 0 : i32
        %ne3A_192 = arith.cmpi ne, %rem3A_190, %ne3A_191 : i32
        %and3A_193 = arith.andi %ne3A_189, %ne3A_192 : i1
        %sub3A_194 = arith.constant 1 : i32
        %sub3A_195 = arith.subi %div3A_174, %sub3A_194 : i32
        %select_n3A_196 = arith.select %and3A_193, %sub3A_195, %div3A_174 : i32
        %jit3A_197 = arith.constant 8 : i32
        %eq3A_198 = arith.constant 0 : i32
        %eq3A_199 = arith.cmpi eq, %jit3A_197, %eq3A_198 : i32
        %jit3A_200 = arith.constant 1 : i32
        %select_n3A_201 = arith.select %eq3A_199, %jit3A_200, %jit3A_197 : i32
        %rem3A_202 = arith.remsi %add3A_135, %select_n3A_201 : i32
        %ne3A_203 = arith.constant 0 : i32
        %ne3A_204 = arith.cmpi ne, %rem3A_202, %ne3A_203 : i32
        %lt3A_205 = arith.constant 0 : i32
        %lt3A_206 = arith.cmpi slt, %rem3A_202, %lt3A_205 : i32
        %lt3A_207 = arith.constant 0 : i32
        %lt3A_208 = arith.cmpi slt, %select_n3A_201, %lt3A_207 : i32
        %ne3A_209 = arith.xori %lt3A_206, %lt3A_208 : i1
        %and3A_210 = arith.andi %ne3A_209, %ne3A_204 : i1
        %add3A_211 = arith.addi %rem3A_202, %select_n3A_201 : i32
        %select_n3A_212 = arith.select %and3A_210, %add3A_211, %rem3A_202 : i32
        %rem3A_213 = arith.constant 2 : i32
        %rem3A_214 = arith.remsi %select_n3A, %rem3A_213 : i32
        %rem3A_215 = arith.constant 8 : i32
        %rem3A_216 = arith.remsi %scan3A_108, %rem3A_215 : i32
        %rem3A_217 = arith.constant 7 : i32
        %rem3A_218 = arith.remsi %scan3A_108, %rem3A_217 : i32
        %dma_wait3A = arith.constant 0 : i32
        %dma_wait3A_219 = arith.constant 0 : i32
        %dma_wait3A_220 = tpu.memref_slice %arg6[%rem3A_218, %dma_wait3A, %dma_wait3A_219] : memref<7x128x128xf32, #tpu.memory_space<vmem>> -> memref<1x128x128xf32, #tpu.memory_space<vmem>>
        %dma_wait3A_221 = tpu.memref_squeeze %dma_wait3A_220 : memref<1x128x128xf32, #tpu.memory_space<vmem>> -> memref<128x128xf32, #tpu.memory_space<vmem>>
        %dma_wait3A_222 = arith.constant 0 : i32
        %dma_wait3A_223 = tpu.memref_slice %arg5[%rem3A_214, %rem3A_216, %dma_wait3A_222] : memref<2x8x128xi32, #tpu.memory_space<vmem>> -> memref<1x1x128xi32, #tpu.memory_space<vmem>>
        %dma_wait3A_224 = tpu.memref_squeeze %dma_wait3A_223 : memref<1x1x128xi32, #tpu.memory_space<vmem>> -> memref<128xi32, #tpu.memory_space<vmem>>
        %dma_wait3A_225 = arith.constant 0 : i32
        %dma_wait3A_226 = arith.constant 0 : i32
        %dma_wait3A_227 = tpu.memref_slice %arg2[%dma_wait3A_225, %dma_wait3A_226] : memref<1000000x128xf32, #tpu.memory_space<hbm>> -> memref<1000000x128xf32, #tpu.memory_space<hbm>>
        tpu.wait_indirect_dma semaphore(%arg7 : memref<!tpu.dma_semaphore, #tpu.memory_space<semaphore_mem>>) src(%dma_wait3A_227 : memref<1000000x128xf32, #tpu.memory_space<hbm>>) dst(%dma_wait3A_221 : memref<128x128xf32, #tpu.memory_space<vmem>>)
        %rem3A_228 = arith.constant 7 : i32
        %rem3A_229 = arith.remsi %scan3A_108, %rem3A_228 : i32
        %mul3A_230 = arith.constant 8 : i32
        %mul3A_231 = arith.muli %select_n3A_196, %mul3A_230 : i32
        %rem3A_232 = arith.constant 8 : i32
        %rem3A_233 = arith.remsi %scan3A_108, %rem3A_232 : i32
        %add3A_234 = arith.addi %mul3A_231, %rem3A_233 : i32
        %mul3A_235 = arith.constant 128 : i32
        %mul3A_236 = arith.muli %select_n3A_212, %mul3A_235 : i32
        "tpu.region"() ({
          %run_scoped3A = tpu.sem_alloc : memref<!tpu.dma_semaphore, #tpu.memory_space<semaphore_mem>>
          %dma_start3A = arith.constant 0 : i32
          %dma_start3A_237 = arith.constant 0 : i32
          %dma_start3A_238 = tpu.memref_slice %arg6[%rem3A_229, %dma_start3A, %dma_start3A_237] : memref<7x128x128xf32, #tpu.memory_space<vmem>> -> memref<1x128x128xf32, #tpu.memory_space<vmem>>
          %dma_start3A_239 = tpu.memref_squeeze %dma_start3A_238 : memref<1x128x128xf32, #tpu.memory_space<vmem>> -> memref<128x128xf32, #tpu.memory_space<vmem>>
          %dma_start3A_240 = arith.constant 0 : i32
          %dma_start3A_241 = tpu.memref_slice %arg4[%add3A_234, %mul3A_236, %dma_start3A_240] : memref<200x1024x128xf32, #tpu.memory_space<hbm>> -> memref<1x128x128xf32, #tpu.memory_space<hbm>>
          %dma_start3A_242 = tpu.memref_squeeze %dma_start3A_241 : memref<1x128x128xf32, #tpu.memory_space<hbm>> -> memref<128x128xf32, #tpu.memory_space<hbm>>
          %dma_start3A_243 = arith.constant 0 : i32
          %dma_start3A_244 = tpu.memref_slice %arg4[%add3A_234, %mul3A_236, %dma_start3A_243] : memref<200x1024x128xf32, #tpu.memory_space<hbm>> -> memref<1x128x128xf32, #tpu.memory_space<hbm>>
          %dma_start3A_245 = tpu.memref_squeeze %dma_start3A_244 : memref<1x128x128xf32, #tpu.memory_space<hbm>> -> memref<128x128xf32, #tpu.memory_space<hbm>>
          %dma_start3A_246 = arith.constant 0 : i32
          %dma_start3A_247 = arith.constant 0 : i32
          %dma_start3A_248 = tpu.memref_slice %arg6[%rem3A_229, %dma_start3A_246, %dma_start3A_247] : memref<7x128x128xf32, #tpu.memory_space<vmem>> -> memref<1x128x128xf32, #tpu.memory_space<vmem>>
          %dma_start3A_249 = tpu.memref_squeeze %dma_start3A_248 : memref<1x128x128xf32, #tpu.memory_space<vmem>> -> memref<128x128xf32, #tpu.memory_space<vmem>>
          tpu.enqueue_dma source(%dma_start3A_249 : memref<128x128xf32, #tpu.memory_space<vmem>>) target(%dma_start3A_245 : memref<128x128xf32, #tpu.memory_space<hbm>>) target_semaphore(%run_scoped3A : memref<!tpu.dma_semaphore, #tpu.memory_space<semaphore_mem>>)
          %dma_wait3A_250 = arith.constant 0 : i32
          %dma_wait3A_251 = arith.constant 0 : i32
          %dma_wait3A_252 = tpu.memref_slice %arg6[%rem3A_229, %dma_wait3A_250, %dma_wait3A_251] : memref<7x128x128xf32, #tpu.memory_space<vmem>> -> memref<1x128x128xf32, #tpu.memory_space<vmem>>
          %dma_wait3A_253 = tpu.memref_squeeze %dma_wait3A_252 : memref<1x128x128xf32, #tpu.memory_space<vmem>> -> memref<128x128xf32, #tpu.memory_space<vmem>>
          %dma_wait3A_254 = arith.constant 0 : i32
          %dma_wait3A_255 = tpu.memref_slice %arg4[%add3A_234, %mul3A_236, %dma_wait3A_254] : memref<200x1024x128xf32, #tpu.memory_space<hbm>> -> memref<1x128x128xf32, #tpu.memory_space<hbm>>
          %dma_wait3A_256 = tpu.memref_squeeze %dma_wait3A_255 : memref<1x128x128xf32, #tpu.memory_space<hbm>> -> memref<128x128xf32, #tpu.memory_space<hbm>>
          %dma_wait3A_257 = arith.constant 0 : i32
          %dma_wait3A_258 = tpu.memref_slice %arg4[%add3A_234, %mul3A_236, %dma_wait3A_257] : memref<200x1024x128xf32, #tpu.memory_space<hbm>> -> memref<1x128x128xf32, #tpu.memory_space<hbm>>
          %dma_wait3A_259 = tpu.memref_squeeze %dma_wait3A_258 : memref<1x128x128xf32, #tpu.memory_space<hbm>> -> memref<128x128xf32, #tpu.memory_space<hbm>>
          %dma_wait3A_260 = arith.constant 0 : i32
          %dma_wait3A_261 = arith.constant 0 : i32
          %dma_wait3A_262 = tpu.memref_slice %arg6[%rem3A_229, %dma_wait3A_260, %dma_wait3A_261] : memref<7x128x128xf32, #tpu.memory_space<vmem>> -> memref<1x128x128xf32, #tpu.memory_space<vmem>>
          %dma_wait3A_263 = tpu.memref_squeeze %dma_wait3A_262 : memref<1x128x128xf32, #tpu.memory_space<vmem>> -> memref<128x128xf32, #tpu.memory_space<vmem>>
          tpu.wait_dma2 semaphore(%run_scoped3A : memref<!tpu.dma_semaphore, #tpu.memory_space<semaphore_mem>>) src(%dma_wait3A_263 : memref<128x128xf32, #tpu.memory_space<vmem>>) dst(%dma_wait3A_259 : memref<128x128xf32, #tpu.memory_space<hbm>>)
          tpu.yield
        }) : () -> ()
      } else {
      }
      %jit3A_141 = arith.constant 8 : i32
      %div3A_142 = arith.divsi %add3A_110, %jit3A_141 : i32
      %sign3A_143 = arith.constant 0 : i32
      %sign3A_144 = arith.cmpi sgt, %add3A_110, %sign3A_143 : i32
      %sign3A_145 = arith.extui %sign3A_144 : i1 to i32
      %sign3A_146 = arith.constant 0 : i32
      %sign3A_147 = arith.cmpi slt, %add3A_110, %sign3A_146 : i32
      %sign3A_148 = arith.extui %sign3A_147 : i1 to i32
      %sign3A_149 = arith.subi %sign3A_145, %sign3A_148 : i32
      %sign3A_150 = arith.constant 0 : i32
      %sign3A_151 = arith.cmpi sgt, %jit3A_141, %sign3A_150 : i32
      %sign3A_152 = arith.extui %sign3A_151 : i1 to i32
      %sign3A_153 = arith.constant 0 : i32
      %sign3A_154 = arith.cmpi slt, %jit3A_141, %sign3A_153 : i32
      %sign3A_155 = arith.extui %sign3A_154 : i1 to i32
      %sign3A_156 = arith.subi %sign3A_152, %sign3A_155 : i32
      %ne3A_157 = arith.cmpi ne, %sign3A_149, %sign3A_156 : i32
      %rem3A_158 = arith.remsi %add3A_110, %jit3A_141 : i32
      %ne3A_159 = arith.constant 0 : i32
      %ne3A_160 = arith.cmpi ne, %rem3A_158, %ne3A_159 : i32
      %and3A_161 = arith.andi %ne3A_157, %ne3A_160 : i1
      %sub3A_162 = arith.constant 1 : i32
      %sub3A_163 = arith.subi %div3A_142, %sub3A_162 : i32
      %select_n3A_164 = arith.select %and3A_161, %sub3A_163, %div3A_142 : i32
      %mul3A_165 = arith.constant 32 : i32
      %mul3A_166 = arith.muli %select_n3A_164, %mul3A_165 : i32
      %add3A_167 = arith.addi %add3A, %mul3A_166 : i32
      %lt3A_168 = arith.constant 200 : i32
      %lt3A_169 = arith.cmpi slt, %add3A_167, %lt3A_168 : i32
      %convert_element_type3A_170 = arith.extui %lt3A_169 : i1 to i32
      %cond3A_171 = arith.constant 0 : i32
      %cond3A_172 = arith.cmpi ne, %convert_element_type3A_170, %cond3A_171 : i32
      scf.if %cond3A_172 {
        %rem3A_173 = arith.constant 2 : i32
        %rem3A_174 = arith.remsi %select_n3A_164, %rem3A_173 : i32
        %rem3A_175 = arith.constant 8 : i32
        %rem3A_176 = arith.remsi %add3A_110, %rem3A_175 : i32
        %rem3A_177 = arith.constant 7 : i32
        %rem3A_178 = arith.remsi %add3A_110, %rem3A_177 : i32
        %dma_start3A = arith.constant 0 : i32
        %dma_start3A_179 = arith.constant 0 : i32
        %dma_start3A_180 = tpu.memref_slice %arg6[%rem3A_178, %dma_start3A, %dma_start3A_179] : memref<7x128x128xf32, #tpu.memory_space<vmem>> -> memref<1x128x128xf32, #tpu.memory_space<vmem>>
        %dma_start3A_181 = tpu.memref_squeeze %dma_start3A_180 : memref<1x128x128xf32, #tpu.memory_space<vmem>> -> memref<128x128xf32, #tpu.memory_space<vmem>>
        %dma_start3A_182 = arith.constant 0 : i32
        %dma_start3A_183 = tpu.memref_slice %arg5[%rem3A_174, %rem3A_176, %dma_start3A_182] : memref<2x8x128xi32, #tpu.memory_space<vmem>> -> memref<1x1x128xi32, #tpu.memory_space<vmem>>
        %dma_start3A_184 = tpu.memref_squeeze %dma_start3A_183 : memref<1x1x128xi32, #tpu.memory_space<vmem>> -> memref<128xi32, #tpu.memory_space<vmem>>
        %dma_start3A_185 = arith.constant 0 : i32
        %dma_start3A_186 = arith.constant 0 : i32
        %dma_start3A_187 = tpu.memref_slice %arg2[%dma_start3A_185, %dma_start3A_186] : memref<1000000x128xf32, #tpu.memory_space<hbm>> -> memref<1000000x128xf32, #tpu.memory_space<hbm>>
        tpu.enqueue_indirect_dma source(%dma_start3A_187 : memref<1000000x128xf32, #tpu.memory_space<hbm>>) target(%dma_start3A_181 : memref<128x128xf32, #tpu.memory_space<vmem>>) offsets(%dma_start3A_184 : memref<128xi32, #tpu.memory_space<vmem>>) semaphore(%arg7 : memref<!tpu.dma_semaphore, #tpu.memory_space<semaphore_mem>>)
      } else {
      }
    }
    %scan3A_58 = arith.constant 49 : i32
    %add3A_59 = arith.constant 192 : i32
    %add3A_60 = arith.addi %add3A, %add3A_59 : i32
    %lt3A_61 = arith.constant 200 : i32
    %lt3A_62 = arith.cmpi slt, %add3A_60, %lt3A_61 : i32
    %convert_element_type3A_63 = arith.extui %lt3A_62 : i1 to i32
    %cond3A_64 = arith.constant 0 : i32
    %cond3A_65 = arith.cmpi ne, %convert_element_type3A_63, %cond3A_64 : i32
    scf.if %cond3A_65 {
      %jit3A = arith.constant 8 : i32
      %div3A = arith.divsi %add3A_60, %jit3A : i32
      %sign3A = arith.constant 0 : i32
      %sign3A_108 = arith.cmpi sgt, %add3A_60, %sign3A : i32
      %sign3A_109 = arith.extui %sign3A_108 : i1 to i32
      %sign3A_110 = arith.constant 0 : i32
      %sign3A_111 = arith.cmpi slt, %add3A_60, %sign3A_110 : i32
      %sign3A_112 = arith.extui %sign3A_111 : i1 to i32
      %sign3A_113 = arith.subi %sign3A_109, %sign3A_112 : i32
      %sign3A_114 = arith.constant 0 : i32
      %sign3A_115 = arith.cmpi sgt, %jit3A, %sign3A_114 : i32
      %sign3A_116 = arith.extui %sign3A_115 : i1 to i32
      %sign3A_117 = arith.constant 0 : i32
      %sign3A_118 = arith.cmpi slt, %jit3A, %sign3A_117 : i32
      %sign3A_119 = arith.extui %sign3A_118 : i1 to i32
      %sign3A_120 = arith.subi %sign3A_116, %sign3A_119 : i32
      %ne3A = arith.cmpi ne, %sign3A_113, %sign3A_120 : i32
      %rem3A = arith.remsi %add3A_60, %jit3A : i32
      %ne3A_121 = arith.constant 0 : i32
      %ne3A_122 = arith.cmpi ne, %rem3A, %ne3A_121 : i32
      %and3A = arith.andi %ne3A, %ne3A_122 : i1
      %sub3A = arith.constant 1 : i32
      %sub3A_123 = arith.subi %div3A, %sub3A : i32
      %select_n3A = arith.select %and3A, %sub3A_123, %div3A : i32
      %jit3A_124 = arith.constant 8 : i32
      %eq3A = arith.constant 0 : i32
      %eq3A_125 = arith.cmpi eq, %jit3A_124, %eq3A : i32
      %jit3A_126 = arith.constant 1 : i32
      %select_n3A_127 = arith.select %eq3A_125, %jit3A_126, %jit3A_124 : i32
      %rem3A_128 = arith.remsi %add3A_60, %select_n3A_127 : i32
      %ne3A_129 = arith.constant 0 : i32
      %ne3A_130 = arith.cmpi ne, %rem3A_128, %ne3A_129 : i32
      %lt3A_131 = arith.constant 0 : i32
      %lt3A_132 = arith.cmpi slt, %rem3A_128, %lt3A_131 : i32
      %lt3A_133 = arith.constant 0 : i32
      %lt3A_134 = arith.cmpi slt, %select_n3A_127, %lt3A_133 : i32
      %ne3A_135 = arith.xori %lt3A_132, %lt3A_134 : i1
      %and3A_136 = arith.andi %ne3A_135, %ne3A_130 : i1
      %add3A_137 = arith.addi %rem3A_128, %select_n3A_127 : i32
      %select_n3A_138 = arith.select %and3A_136, %add3A_137, %rem3A_128 : i32
      %rem3A_139 = arith.constant 6 : i32
      %rem3A_140 = arith.constant 2 : i32
      %rem3A_141 = arith.remsi %rem3A_139, %rem3A_140 : i32
      %rem3A_142 = arith.constant 49 : i32
      %rem3A_143 = arith.constant 8 : i32
      %rem3A_144 = arith.remsi %rem3A_142, %rem3A_143 : i32
      %rem3A_145 = arith.constant 49 : i32
      %rem3A_146 = arith.constant 7 : i32
      %rem3A_147 = arith.remsi %rem3A_145, %rem3A_146 : i32
      %dma_wait3A = arith.constant 0 : i32
      %dma_wait3A_148 = arith.constant 0 : i32
      %dma_wait3A_149 = tpu.memref_slice %arg6[%rem3A_147, %dma_wait3A, %dma_wait3A_148] : memref<7x128x128xf32, #tpu.memory_space<vmem>> -> memref<1x128x128xf32, #tpu.memory_space<vmem>>
      %dma_wait3A_150 = tpu.memref_squeeze %dma_wait3A_149 : memref<1x128x128xf32, #tpu.memory_space<vmem>> -> memref<128x128xf32, #tpu.memory_space<vmem>>
      %dma_wait3A_151 = arith.constant 0 : i32
      %dma_wait3A_152 = tpu.memref_slice %arg5[%rem3A_141, %rem3A_144, %dma_wait3A_151] : memref<2x8x128xi32, #tpu.memory_space<vmem>> -> memref<1x1x128xi32, #tpu.memory_space<vmem>>
      %dma_wait3A_153 = tpu.memref_squeeze %dma_wait3A_152 : memref<1x1x128xi32, #tpu.memory_space<vmem>> -> memref<128xi32, #tpu.memory_space<vmem>>
      %dma_wait3A_154 = arith.constant 0 : i32
      %dma_wait3A_155 = arith.constant 0 : i32
      %dma_wait3A_156 = tpu.memref_slice %arg2[%dma_wait3A_154, %dma_wait3A_155] : memref<1000000x128xf32, #tpu.memory_space<hbm>> -> memref<1000000x128xf32, #tpu.memory_space<hbm>>
      tpu.wait_indirect_dma semaphore(%arg7 : memref<!tpu.dma_semaphore, #tpu.memory_space<semaphore_mem>>) src(%dma_wait3A_156 : memref<1000000x128xf32, #tpu.memory_space<hbm>>) dst(%dma_wait3A_150 : memref<128x128xf32, #tpu.memory_space<vmem>>)
      %rem3A_157 = arith.constant 49 : i32
      %rem3A_158 = arith.constant 7 : i32
      %rem3A_159 = arith.remsi %rem3A_157, %rem3A_158 : i32
      %mul3A_160 = arith.constant 8 : i32
      %mul3A_161 = arith.muli %select_n3A, %mul3A_160 : i32
      %rem3A_162 = arith.constant 49 : i32
      %rem3A_163 = arith.constant 8 : i32
      %rem3A_164 = arith.remsi %rem3A_162, %rem3A_163 : i32
      %add3A_165 = arith.addi %mul3A_161, %rem3A_164 : i32
      %mul3A_166 = arith.constant 128 : i32
      %mul3A_167 = arith.muli %select_n3A_138, %mul3A_166 : i32
      "tpu.region"() ({
        %run_scoped3A = tpu.sem_alloc : memref<!tpu.dma_semaphore, #tpu.memory_space<semaphore_mem>>
        %dma_start3A = arith.constant 0 : i32
        %dma_start3A_168 = arith.constant 0 : i32
        %dma_start3A_169 = tpu.memref_slice %arg6[%rem3A_159, %dma_start3A, %dma_start3A_168] : memref<7x128x128xf32, #tpu.memory_space<vmem>> -> memref<1x128x128xf32, #tpu.memory_space<vmem>>
        %dma_start3A_170 = tpu.memref_squeeze %dma_start3A_169 : memref<1x128x128xf32, #tpu.memory_space<vmem>> -> memref<128x128xf32, #tpu.memory_space<vmem>>
        %dma_start3A_171 = arith.constant 0 : i32
        %dma_start3A_172 = tpu.memref_slice %arg4[%add3A_165, %mul3A_167, %dma_start3A_171] : memref<200x1024x128xf32, #tpu.memory_space<hbm>> -> memref<1x128x128xf32, #tpu.memory_space<hbm>>
        %dma_start3A_173 = tpu.memref_squeeze %dma_start3A_172 : memref<1x128x128xf32, #tpu.memory_space<hbm>> -> memref<128x128xf32, #tpu.memory_space<hbm>>
        %dma_start3A_174 = arith.constant 0 : i32
        %dma_start3A_175 = tpu.memref_slice %arg4[%add3A_165, %mul3A_167, %dma_start3A_174] : memref<200x1024x128xf32, #tpu.memory_space<hbm>> -> memref<1x128x128xf32, #tpu.memory_space<hbm>>
        %dma_start3A_176 = tpu.memref_squeeze %dma_start3A_175 : memref<1x128x128xf32, #tpu.memory_space<hbm>> -> memref<128x128xf32, #tpu.memory_space<hbm>>
        %dma_start3A_177 = arith.constant 0 : i32
        %dma_start3A_178 = arith.constant 0 : i32
        %dma_start3A_179 = tpu.memref_slice %arg6[%rem3A_159, %dma_start3A_177, %dma_start3A_178] : memref<7x128x128xf32, #tpu.memory_space<vmem>> -> memref<1x128x128xf32, #tpu.memory_space<vmem>>
        %dma_start3A_180 = tpu.memref_squeeze %dma_start3A_179 : memref<1x128x128xf32, #tpu.memory_space<vmem>> -> memref<128x128xf32, #tpu.memory_space<vmem>>
        tpu.enqueue_dma source(%dma_start3A_180 : memref<128x128xf32, #tpu.memory_space<vmem>>) target(%dma_start3A_176 : memref<128x128xf32, #tpu.memory_space<hbm>>) target_semaphore(%run_scoped3A : memref<!tpu.dma_semaphore, #tpu.memory_space<semaphore_mem>>)
        %dma_wait3A_181 = arith.constant 0 : i32
        %dma_wait3A_182 = arith.constant 0 : i32
        %dma_wait3A_183 = tpu.memref_slice %arg6[%rem3A_159, %dma_wait3A_181, %dma_wait3A_182] : memref<7x128x128xf32, #tpu.memory_space<vmem>> -> memref<1x128x128xf32, #tpu.memory_space<vmem>>
        %dma_wait3A_184 = tpu.memref_squeeze %dma_wait3A_183 : memref<1x128x128xf32, #tpu.memory_space<vmem>> -> memref<128x128xf32, #tpu.memory_space<vmem>>
        %dma_wait3A_185 = arith.constant 0 : i32
        %dma_wait3A_186 = tpu.memref_slice %arg4[%add3A_165, %mul3A_167, %dma_wait3A_185] : memref<200x1024x128xf32, #tpu.memory_space<hbm>> -> memref<1x128x128xf32, #tpu.memory_space<hbm>>
        %dma_wait3A_187 = tpu.memref_squeeze %dma_wait3A_186 : memref<1x128x128xf32, #tpu.memory_space<hbm>> -> memref<128x128xf32, #tpu.memory_space<hbm>>
        %dma_wait3A_188 = arith.constant 0 : i32
        %dma_wait3A_189 = tpu.memref_slice %arg4[%add3A_165, %mul3A_167, %dma_wait3A_188] : memref<200x1024x128xf32, #tpu.memory_space<hbm>> -> memref<1x128x128xf32, #tpu.memory_space<hbm>>
        %dma_wait3A_190 = tpu.memref_squeeze %dma_wait3A_189 : memref<1x128x128xf32, #tpu.memory_space<hbm>> -> memref<128x128xf32, #tpu.memory_space<hbm>>
        %dma_wait3A_191 = arith.constant 0 : i32
        %dma_wait3A_192 = arith.constant 0 : i32
        %dma_wait3A_193 = tpu.memref_slice %arg6[%rem3A_159, %dma_wait3A_191, %dma_wait3A_192] : memref<7x128x128xf32, #tpu.memory_space<vmem>> -> memref<1x128x128xf32, #tpu.memory_space<vmem>>
        %dma_wait3A_194 = tpu.memref_squeeze %dma_wait3A_193 : memref<1x128x128xf32, #tpu.memory_space<vmem>> -> memref<128x128xf32, #tpu.memory_space<vmem>>
        tpu.wait_dma2 semaphore(%run_scoped3A : memref<!tpu.dma_semaphore, #tpu.memory_space<semaphore_mem>>) src(%dma_wait3A_194 : memref<128x128xf32, #tpu.memory_space<vmem>>) dst(%dma_wait3A_190 : memref<128x128xf32, #tpu.memory_space<hbm>>)
        tpu.yield
      }) : () -> ()
    } else {
    }
    %add3A_66 = arith.constant 192 : i32
    %add3A_67 = arith.addi %add3A, %add3A_66 : i32
    %lt3A_68 = arith.constant 200 : i32
    %lt3A_69 = arith.cmpi slt, %add3A_67, %lt3A_68 : i32
    %convert_element_type3A_70 = arith.extui %lt3A_69 : i1 to i32
    %cond3A_71 = arith.constant 0 : i32
    %cond3A_72 = arith.cmpi ne, %convert_element_type3A_70, %cond3A_71 : i32
    scf.if %cond3A_72 {
      %jit3A = arith.constant 8 : i32
      %div3A = arith.divsi %add3A_67, %jit3A : i32
      %sign3A = arith.constant 0 : i32
      %sign3A_108 = arith.cmpi sgt, %add3A_67, %sign3A : i32
      %sign3A_109 = arith.extui %sign3A_108 : i1 to i32
      %sign3A_110 = arith.constant 0 : i32
      %sign3A_111 = arith.cmpi slt, %add3A_67, %sign3A_110 : i32
      %sign3A_112 = arith.extui %sign3A_111 : i1 to i32
      %sign3A_113 = arith.subi %sign3A_109, %sign3A_112 : i32
      %sign3A_114 = arith.constant 0 : i32
      %sign3A_115 = arith.cmpi sgt, %jit3A, %sign3A_114 : i32
      %sign3A_116 = arith.extui %sign3A_115 : i1 to i32
      %sign3A_117 = arith.constant 0 : i32
      %sign3A_118 = arith.cmpi slt, %jit3A, %sign3A_117 : i32
      %sign3A_119 = arith.extui %sign3A_118 : i1 to i32
      %sign3A_120 = arith.subi %sign3A_116, %sign3A_119 : i32
      %ne3A = arith.cmpi ne, %sign3A_113, %sign3A_120 : i32
      %rem3A = arith.remsi %add3A_67, %jit3A : i32
      %ne3A_121 = arith.constant 0 : i32
      %ne3A_122 = arith.cmpi ne, %rem3A, %ne3A_121 : i32
      %and3A = arith.andi %ne3A, %ne3A_122 : i1
      %sub3A = arith.constant 1 : i32
      %sub3A_123 = arith.subi %div3A, %sub3A : i32
      %select_n3A = arith.select %and3A, %sub3A_123, %div3A : i32
      %jit3A_124 = arith.constant 8 : i32
      %eq3A = arith.constant 0 : i32
      %eq3A_125 = arith.cmpi eq, %jit3A_124, %eq3A : i32
      %jit3A_126 = arith.constant 1 : i32
      %select_n3A_127 = arith.select %eq3A_125, %jit3A_126, %jit3A_124 : i32
      %rem3A_128 = arith.remsi %add3A_67, %select_n3A_127 : i32
      %ne3A_129 = arith.constant 0 : i32
      %ne3A_130 = arith.cmpi ne, %rem3A_128, %ne3A_129 : i32
      %lt3A_131 = arith.constant 0 : i32
      %lt3A_132 = arith.cmpi slt, %rem3A_128, %lt3A_131 : i32
      %lt3A_133 = arith.constant 0 : i32
      %lt3A_134 = arith.cmpi slt, %select_n3A_127, %lt3A_133 : i32
      %ne3A_135 = arith.xori %lt3A_132, %lt3A_134 : i1
      %and3A_136 = arith.andi %ne3A_135, %ne3A_130 : i1
      %add3A_137 = arith.addi %rem3A_128, %select_n3A_127 : i32
      %select_n3A_138 = arith.select %and3A_136, %add3A_137, %rem3A_128 : i32
      %rem3A_139 = arith.constant 6 : i32
      %rem3A_140 = arith.constant 2 : i32
      %rem3A_141 = arith.remsi %rem3A_139, %rem3A_140 : i32
      %rem3A_142 = arith.constant 50 : i32
      %rem3A_143 = arith.constant 8 : i32
      %rem3A_144 = arith.remsi %rem3A_142, %rem3A_143 : i32
      %rem3A_145 = arith.constant 50 : i32
      %rem3A_146 = arith.constant 7 : i32
      %rem3A_147 = arith.remsi %rem3A_145, %rem3A_146 : i32
      %dma_wait3A = arith.constant 0 : i32
      %dma_wait3A_148 = arith.constant 0 : i32
      %dma_wait3A_149 = tpu.memref_slice %arg6[%rem3A_147, %dma_wait3A, %dma_wait3A_148] : memref<7x128x128xf32, #tpu.memory_space<vmem>> -> memref<1x128x128xf32, #tpu.memory_space<vmem>>
      %dma_wait3A_150 = tpu.memref_squeeze %dma_wait3A_149 : memref<1x128x128xf32, #tpu.memory_space<vmem>> -> memref<128x128xf32, #tpu.memory_space<vmem>>
      %dma_wait3A_151 = arith.constant 0 : i32
      %dma_wait3A_152 = tpu.memref_slice %arg5[%rem3A_141, %rem3A_144, %dma_wait3A_151] : memref<2x8x128xi32, #tpu.memory_space<vmem>> -> memref<1x1x128xi32, #tpu.memory_space<vmem>>
      %dma_wait3A_153 = tpu.memref_squeeze %dma_wait3A_152 : memref<1x1x128xi32, #tpu.memory_space<vmem>> -> memref<128xi32, #tpu.memory_space<vmem>>
      %dma_wait3A_154 = arith.constant 0 : i32
      %dma_wait3A_155 = arith.constant 0 : i32
      %dma_wait3A_156 = tpu.memref_slice %arg2[%dma_wait3A_154, %dma_wait3A_155] : memref<1000000x128xf32, #tpu.memory_space<hbm>> -> memref<1000000x128xf32, #tpu.memory_space<hbm>>
      tpu.wait_indirect_dma semaphore(%arg7 : memref<!tpu.dma_semaphore, #tpu.memory_space<semaphore_mem>>) src(%dma_wait3A_156 : memref<1000000x128xf32, #tpu.memory_space<hbm>>) dst(%dma_wait3A_150 : memref<128x128xf32, #tpu.memory_space<vmem>>)
      %rem3A_157 = arith.constant 50 : i32
      %rem3A_158 = arith.constant 7 : i32
      %rem3A_159 = arith.remsi %rem3A_157, %rem3A_158 : i32
      %mul3A_160 = arith.constant 8 : i32
      %mul3A_161 = arith.muli %select_n3A, %mul3A_160 : i32
      %rem3A_162 = arith.constant 50 : i32
      %rem3A_163 = arith.constant 8 : i32
      %rem3A_164 = arith.remsi %rem3A_162, %rem3A_163 : i32
      %add3A_165 = arith.addi %mul3A_161, %rem3A_164 : i32
      %mul3A_166 = arith.constant 128 : i32
      %mul3A_167 = arith.muli %select_n3A_138, %mul3A_166 : i32
      "tpu.region"() ({
        %run_scoped3A = tpu.sem_alloc : memref<!tpu.dma_semaphore, #tpu.memory_space<semaphore_mem>>
        %dma_start3A = arith.constant 0 : i32
        %dma_start3A_168 = arith.constant 0 : i32
        %dma_start3A_169 = tpu.memref_slice %arg6[%rem3A_159, %dma_start3A, %dma_start3A_168] : memref<7x128x128xf32, #tpu.memory_space<vmem>> -> memref<1x128x128xf32, #tpu.memory_space<vmem>>
        %dma_start3A_170 = tpu.memref_squeeze %dma_start3A_169 : memref<1x128x128xf32, #tpu.memory_space<vmem>> -> memref<128x128xf32, #tpu.memory_space<vmem>>
        %dma_start3A_171 = arith.constant 0 : i32
        %dma_start3A_172 = tpu.memref_slice %arg4[%add3A_165, %mul3A_167, %dma_start3A_171] : memref<200x1024x128xf32, #tpu.memory_space<hbm>> -> memref<1x128x128xf32, #tpu.memory_space<hbm>>
        %dma_start3A_173 = tpu.memref_squeeze %dma_start3A_172 : memref<1x128x128xf32, #tpu.memory_space<hbm>> -> memref<128x128xf32, #tpu.memory_space<hbm>>
        %dma_start3A_174 = arith.constant 0 : i32
        %dma_start3A_175 = tpu.memref_slice %arg4[%add3A_165, %mul3A_167, %dma_start3A_174] : memref<200x1024x128xf32, #tpu.memory_space<hbm>> -> memref<1x128x128xf32, #tpu.memory_space<hbm>>
        %dma_start3A_176 = tpu.memref_squeeze %dma_start3A_175 : memref<1x128x128xf32, #tpu.memory_space<hbm>> -> memref<128x128xf32, #tpu.memory_space<hbm>>
        %dma_start3A_177 = arith.constant 0 : i32
        %dma_start3A_178 = arith.constant 0 : i32
        %dma_start3A_179 = tpu.memref_slice %arg6[%rem3A_159, %dma_start3A_177, %dma_start3A_178] : memref<7x128x128xf32, #tpu.memory_space<vmem>> -> memref<1x128x128xf32, #tpu.memory_space<vmem>>
        %dma_start3A_180 = tpu.memref_squeeze %dma_start3A_179 : memref<1x128x128xf32, #tpu.memory_space<vmem>> -> memref<128x128xf32, #tpu.memory_space<vmem>>
        tpu.enqueue_dma source(%dma_start3A_180 : memref<128x128xf32, #tpu.memory_space<vmem>>) target(%dma_start3A_176 : memref<128x128xf32, #tpu.memory_space<hbm>>) target_semaphore(%run_scoped3A : memref<!tpu.dma_semaphore, #tpu.memory_space<semaphore_mem>>)
        %dma_wait3A_181 = arith.constant 0 : i32
        %dma_wait3A_182 = arith.constant 0 : i32
        %dma_wait3A_183 = tpu.memref_slice %arg6[%rem3A_159, %dma_wait3A_181, %dma_wait3A_182] : memref<7x128x128xf32, #tpu.memory_space<vmem>> -> memref<1x128x128xf32, #tpu.memory_space<vmem>>
        %dma_wait3A_184 = tpu.memref_squeeze %dma_wait3A_183 : memref<1x128x128xf32, #tpu.memory_space<vmem>> -> memref<128x128xf32, #tpu.memory_space<vmem>>
        %dma_wait3A_185 = arith.constant 0 : i32
        %dma_wait3A_186 = tpu.memref_slice %arg4[%add3A_165, %mul3A_167, %dma_wait3A_185] : memref<200x1024x128xf32, #tpu.memory_space<hbm>> -> memref<1x128x128xf32, #tpu.memory_space<hbm>>
        %dma_wait3A_187 = tpu.memref_squeeze %dma_wait3A_186 : memref<1x128x128xf32, #tpu.memory_space<hbm>> -> memref<128x128xf32, #tpu.memory_space<hbm>>
        %dma_wait3A_188 = arith.constant 0 : i32
        %dma_wait3A_189 = tpu.memref_slice %arg4[%add3A_165, %mul3A_167, %dma_wait3A_188] : memref<200x1024x128xf32, #tpu.memory_space<hbm>> -> memref<1x128x128xf32, #tpu.memory_space<hbm>>
        %dma_wait3A_190 = tpu.memref_squeeze %dma_wait3A_189 : memref<1x128x128xf32, #tpu.memory_space<hbm>> -> memref<128x128xf32, #tpu.memory_space<hbm>>
        %dma_wait3A_191 = arith.constant 0 : i32
        %dma_wait3A_192 = arith.constant 0 : i32
        %dma_wait3A_193 = tpu.memref_slice %arg6[%rem3A_159, %dma_wait3A_191, %dma_wait3A_192] : memref<7x128x128xf32, #tpu.memory_space<vmem>> -> memref<1x128x128xf32, #tpu.memory_space<vmem>>
        %dma_wait3A_194 = tpu.memref_squeeze %dma_wait3A_193 : memref<1x128x128xf32, #tpu.memory_space<vmem>> -> memref<128x128xf32, #tpu.memory_space<vmem>>
        tpu.wait_dma2 semaphore(%run_scoped3A : memref<!tpu.dma_semaphore, #tpu.memory_space<semaphore_mem>>) src(%dma_wait3A_194 : memref<128x128xf32, #tpu.memory_space<vmem>>) dst(%dma_wait3A_190 : memref<128x128xf32, #tpu.memory_space<hbm>>)
        tpu.yield
      }) : () -> ()
    } else {
    }
    %add3A_73 = arith.constant 192 : i32
    %add3A_74 = arith.addi %add3A, %add3A_73 : i32
    %lt3A_75 = arith.constant 200 : i32
    %lt3A_76 = arith.cmpi slt, %add3A_74, %lt3A_75 : i32
    %convert_element_type3A_77 = arith.extui %lt3A_76 : i1 to i32
    %cond3A_78 = arith.constant 0 : i32
    %cond3A_79 = arith.cmpi ne, %convert_element_type3A_77, %cond3A_78 : i32
    scf.if %cond3A_79 {
      %jit3A = arith.constant 8 : i32
      %div3A = arith.divsi %add3A_74, %jit3A : i32
      %sign3A = arith.constant 0 : i32
      %sign3A_108 = arith.cmpi sgt, %add3A_74, %sign3A : i32
      %sign3A_109 = arith.extui %sign3A_108 : i1 to i32
      %sign3A_110 = arith.constant 0 : i32
      %sign3A_111 = arith.cmpi slt, %add3A_74, %sign3A_110 : i32
      %sign3A_112 = arith.extui %sign3A_111 : i1 to i32
      %sign3A_113 = arith.subi %sign3A_109, %sign3A_112 : i32
      %sign3A_114 = arith.constant 0 : i32
      %sign3A_115 = arith.cmpi sgt, %jit3A, %sign3A_114 : i32
      %sign3A_116 = arith.extui %sign3A_115 : i1 to i32
      %sign3A_117 = arith.constant 0 : i32
      %sign3A_118 = arith.cmpi slt, %jit3A, %sign3A_117 : i32
      %sign3A_119 = arith.extui %sign3A_118 : i1 to i32
      %sign3A_120 = arith.subi %sign3A_116, %sign3A_119 : i32
      %ne3A = arith.cmpi ne, %sign3A_113, %sign3A_120 : i32
      %rem3A = arith.remsi %add3A_74, %jit3A : i32
      %ne3A_121 = arith.constant 0 : i32
      %ne3A_122 = arith.cmpi ne, %rem3A, %ne3A_121 : i32
      %and3A = arith.andi %ne3A, %ne3A_122 : i1
      %sub3A = arith.constant 1 : i32
      %sub3A_123 = arith.subi %div3A, %sub3A : i32
      %select_n3A = arith.select %and3A, %sub3A_123, %div3A : i32
      %jit3A_124 = arith.constant 8 : i32
      %eq3A = arith.constant 0 : i32
      %eq3A_125 = arith.cmpi eq, %jit3A_124, %eq3A : i32
      %jit3A_126 = arith.constant 1 : i32
      %select_n3A_127 = arith.select %eq3A_125, %jit3A_126, %jit3A_124 : i32
      %rem3A_128 = arith.remsi %add3A_74, %select_n3A_127 : i32
      %ne3A_129 = arith.constant 0 : i32
      %ne3A_130 = arith.cmpi ne, %rem3A_128, %ne3A_129 : i32
      %lt3A_131 = arith.constant 0 : i32
      %lt3A_132 = arith.cmpi slt, %rem3A_128, %lt3A_131 : i32
      %lt3A_133 = arith.constant 0 : i32
      %lt3A_134 = arith.cmpi slt, %select_n3A_127, %lt3A_133 : i32
      %ne3A_135 = arith.xori %lt3A_132, %lt3A_134 : i1
      %and3A_136 = arith.andi %ne3A_135, %ne3A_130 : i1
      %add3A_137 = arith.addi %rem3A_128, %select_n3A_127 : i32
      %select_n3A_138 = arith.select %and3A_136, %add3A_137, %rem3A_128 : i32
      %rem3A_139 = arith.constant 6 : i32
      %rem3A_140 = arith.constant 2 : i32
      %rem3A_141 = arith.remsi %rem3A_139, %rem3A_140 : i32
      %rem3A_142 = arith.constant 51 : i32
      %rem3A_143 = arith.constant 8 : i32
      %rem3A_144 = arith.remsi %rem3A_142, %rem3A_143 : i32
      %rem3A_145 = arith.constant 51 : i32
      %rem3A_146 = arith.constant 7 : i32
      %rem3A_147 = arith.remsi %rem3A_145, %rem3A_146 : i32
      %dma_wait3A = arith.constant 0 : i32
      %dma_wait3A_148 = arith.constant 0 : i32
      %dma_wait3A_149 = tpu.memref_slice %arg6[%rem3A_147, %dma_wait3A, %dma_wait3A_148] : memref<7x128x128xf32, #tpu.memory_space<vmem>> -> memref<1x128x128xf32, #tpu.memory_space<vmem>>
      %dma_wait3A_150 = tpu.memref_squeeze %dma_wait3A_149 : memref<1x128x128xf32, #tpu.memory_space<vmem>> -> memref<128x128xf32, #tpu.memory_space<vmem>>
      %dma_wait3A_151 = arith.constant 0 : i32
      %dma_wait3A_152 = tpu.memref_slice %arg5[%rem3A_141, %rem3A_144, %dma_wait3A_151] : memref<2x8x128xi32, #tpu.memory_space<vmem>> -> memref<1x1x128xi32, #tpu.memory_space<vmem>>
      %dma_wait3A_153 = tpu.memref_squeeze %dma_wait3A_152 : memref<1x1x128xi32, #tpu.memory_space<vmem>> -> memref<128xi32, #tpu.memory_space<vmem>>
      %dma_wait3A_154 = arith.constant 0 : i32
      %dma_wait3A_155 = arith.constant 0 : i32
      %dma_wait3A_156 = tpu.memref_slice %arg2[%dma_wait3A_154, %dma_wait3A_155] : memref<1000000x128xf32, #tpu.memory_space<hbm>> -> memref<1000000x128xf32, #tpu.memory_space<hbm>>
      tpu.wait_indirect_dma semaphore(%arg7 : memref<!tpu.dma_semaphore, #tpu.memory_space<semaphore_mem>>) src(%dma_wait3A_156 : memref<1000000x128xf32, #tpu.memory_space<hbm>>) dst(%dma_wait3A_150 : memref<128x128xf32, #tpu.memory_space<vmem>>)
      %rem3A_157 = arith.constant 51 : i32
      %rem3A_158 = arith.constant 7 : i32
      %rem3A_159 = arith.remsi %rem3A_157, %rem3A_158 : i32
      %mul3A_160 = arith.constant 8 : i32
      %mul3A_161 = arith.muli %select_n3A, %mul3A_160 : i32
      %rem3A_162 = arith.constant 51 : i32
      %rem3A_163 = arith.constant 8 : i32
      %rem3A_164 = arith.remsi %rem3A_162, %rem3A_163 : i32
      %add3A_165 = arith.addi %mul3A_161, %rem3A_164 : i32
      %mul3A_166 = arith.constant 128 : i32
      %mul3A_167 = arith.muli %select_n3A_138, %mul3A_166 : i32
      "tpu.region"() ({
        %run_scoped3A = tpu.sem_alloc : memref<!tpu.dma_semaphore, #tpu.memory_space<semaphore_mem>>
        %dma_start3A = arith.constant 0 : i32
        %dma_start3A_168 = arith.constant 0 : i32
        %dma_start3A_169 = tpu.memref_slice %arg6[%rem3A_159, %dma_start3A, %dma_start3A_168] : memref<7x128x128xf32, #tpu.memory_space<vmem>> -> memref<1x128x128xf32, #tpu.memory_space<vmem>>
        %dma_start3A_170 = tpu.memref_squeeze %dma_start3A_169 : memref<1x128x128xf32, #tpu.memory_space<vmem>> -> memref<128x128xf32, #tpu.memory_space<vmem>>
        %dma_start3A_171 = arith.constant 0 : i32
        %dma_start3A_172 = tpu.memref_slice %arg4[%add3A_165, %mul3A_167, %dma_start3A_171] : memref<200x1024x128xf32, #tpu.memory_space<hbm>> -> memref<1x128x128xf32, #tpu.memory_space<hbm>>
        %dma_start3A_173 = tpu.memref_squeeze %dma_start3A_172 : memref<1x128x128xf32, #tpu.memory_space<hbm>> -> memref<128x128xf32, #tpu.memory_space<hbm>>
        %dma_start3A_174 = arith.constant 0 : i32
        %dma_start3A_175 = tpu.memref_slice %arg4[%add3A_165, %mul3A_167, %dma_start3A_174] : memref<200x1024x128xf32, #tpu.memory_space<hbm>> -> memref<1x128x128xf32, #tpu.memory_space<hbm>>
        %dma_start3A_176 = tpu.memref_squeeze %dma_start3A_175 : memref<1x128x128xf32, #tpu.memory_space<hbm>> -> memref<128x128xf32, #tpu.memory_space<hbm>>
        %dma_start3A_177 = arith.constant 0 : i32
        %dma_start3A_178 = arith.constant 0 : i32
        %dma_start3A_179 = tpu.memref_slice %arg6[%rem3A_159, %dma_start3A_177, %dma_start3A_178] : memref<7x128x128xf32, #tpu.memory_space<vmem>> -> memref<1x128x128xf32, #tpu.memory_space<vmem>>
        %dma_start3A_180 = tpu.memref_squeeze %dma_start3A_179 : memref<1x128x128xf32, #tpu.memory_space<vmem>> -> memref<128x128xf32, #tpu.memory_space<vmem>>
        tpu.enqueue_dma source(%dma_start3A_180 : memref<128x128xf32, #tpu.memory_space<vmem>>) target(%dma_start3A_176 : memref<128x128xf32, #tpu.memory_space<hbm>>) target_semaphore(%run_scoped3A : memref<!tpu.dma_semaphore, #tpu.memory_space<semaphore_mem>>)
        %dma_wait3A_181 = arith.constant 0 : i32
        %dma_wait3A_182 = arith.constant 0 : i32
        %dma_wait3A_183 = tpu.memref_slice %arg6[%rem3A_159, %dma_wait3A_181, %dma_wait3A_182] : memref<7x128x128xf32, #tpu.memory_space<vmem>> -> memref<1x128x128xf32, #tpu.memory_space<vmem>>
        %dma_wait3A_184 = tpu.memref_squeeze %dma_wait3A_183 : memref<1x128x128xf32, #tpu.memory_space<vmem>> -> memref<128x128xf32, #tpu.memory_space<vmem>>
        %dma_wait3A_185 = arith.constant 0 : i32
        %dma_wait3A_186 = tpu.memref_slice %arg4[%add3A_165, %mul3A_167, %dma_wait3A_185] : memref<200x1024x128xf32, #tpu.memory_space<hbm>> -> memref<1x128x128xf32, #tpu.memory_space<hbm>>
        %dma_wait3A_187 = tpu.memref_squeeze %dma_wait3A_186 : memref<1x128x128xf32, #tpu.memory_space<hbm>> -> memref<128x128xf32, #tpu.memory_space<hbm>>
        %dma_wait3A_188 = arith.constant 0 : i32
        %dma_wait3A_189 = tpu.memref_slice %arg4[%add3A_165, %mul3A_167, %dma_wait3A_188] : memref<200x1024x128xf32, #tpu.memory_space<hbm>> -> memref<1x128x128xf32, #tpu.memory_space<hbm>>
        %dma_wait3A_190 = tpu.memref_squeeze %dma_wait3A_189 : memref<1x128x128xf32, #tpu.memory_space<hbm>> -> memref<128x128xf32, #tpu.memory_space<hbm>>
        %dma_wait3A_191 = arith.constant 0 : i32
        %dma_wait3A_192 = arith.constant 0 : i32
        %dma_wait3A_193 = tpu.memref_slice %arg6[%rem3A_159, %dma_wait3A_191, %dma_wait3A_192] : memref<7x128x128xf32, #tpu.memory_space<vmem>> -> memref<1x128x128xf32, #tpu.memory_space<vmem>>
        %dma_wait3A_194 = tpu.memref_squeeze %dma_wait3A_193 : memref<1x128x128xf32, #tpu.memory_space<vmem>> -> memref<128x128xf32, #tpu.memory_space<vmem>>
        tpu.wait_dma2 semaphore(%run_scoped3A : memref<!tpu.dma_semaphore, #tpu.memory_space<semaphore_mem>>) src(%dma_wait3A_194 : memref<128x128xf32, #tpu.memory_space<vmem>>) dst(%dma_wait3A_190 : memref<128x128xf32, #tpu.memory_space<hbm>>)
        tpu.yield
      }) : () -> ()
    } else {
    }
    %add3A_80 = arith.constant 192 : i32
    %add3A_81 = arith.addi %add3A, %add3A_80 : i32
    %lt3A_82 = arith.constant 200 : i32
    %lt3A_83 = arith.cmpi slt, %add3A_81, %lt3A_82 : i32
    %convert_element_type3A_84 = arith.extui %lt3A_83 : i1 to i32
    %cond3A_85 = arith.constant 0 : i32
    %cond3A_86 = arith.cmpi ne, %convert_element_type3A_84, %cond3A_85 : i32
    scf.if %cond3A_86 {
      %jit3A = arith.constant 8 : i32
      %div3A = arith.divsi %add3A_81, %jit3A : i32
      %sign3A = arith.constant 0 : i32
      %sign3A_108 = arith.cmpi sgt, %add3A_81, %sign3A : i32
      %sign3A_109 = arith.extui %sign3A_108 : i1 to i32
      %sign3A_110 = arith.constant 0 : i32
      %sign3A_111 = arith.cmpi slt, %add3A_81, %sign3A_110 : i32
      %sign3A_112 = arith.extui %sign3A_111 : i1 to i32
      %sign3A_113 = arith.subi %sign3A_109, %sign3A_112 : i32
      %sign3A_114 = arith.constant 0 : i32
      %sign3A_115 = arith.cmpi sgt, %jit3A, %sign3A_114 : i32
      %sign3A_116 = arith.extui %sign3A_115 : i1 to i32
      %sign3A_117 = arith.constant 0 : i32
      %sign3A_118 = arith.cmpi slt, %jit3A, %sign3A_117 : i32
      %sign3A_119 = arith.extui %sign3A_118 : i1 to i32
      %sign3A_120 = arith.subi %sign3A_116, %sign3A_119 : i32
      %ne3A = arith.cmpi ne, %sign3A_113, %sign3A_120 : i32
      %rem3A = arith.remsi %add3A_81, %jit3A : i32
      %ne3A_121 = arith.constant 0 : i32
      %ne3A_122 = arith.cmpi ne, %rem3A, %ne3A_121 : i32
      %and3A = arith.andi %ne3A, %ne3A_122 : i1
      %sub3A = arith.constant 1 : i32
      %sub3A_123 = arith.subi %div3A, %sub3A : i32
      %select_n3A = arith.select %and3A, %sub3A_123, %div3A : i32
      %jit3A_124 = arith.constant 8 : i32
      %eq3A = arith.constant 0 : i32
      %eq3A_125 = arith.cmpi eq, %jit3A_124, %eq3A : i32
      %jit3A_126 = arith.constant 1 : i32
      %select_n3A_127 = arith.select %eq3A_125, %jit3A_126, %jit3A_124 : i32
      %rem3A_128 = arith.remsi %add3A_81, %select_n3A_127 : i32
      %ne3A_129 = arith.constant 0 : i32
      %ne3A_130 = arith.cmpi ne, %rem3A_128, %ne3A_129 : i32
      %lt3A_131 = arith.constant 0 : i32
      %lt3A_132 = arith.cmpi slt, %rem3A_128, %lt3A_131 : i32
      %lt3A_133 = arith.constant 0 : i32
      %lt3A_134 = arith.cmpi slt, %select_n3A_127, %lt3A_133 : i32
      %ne3A_135 = arith.xori %lt3A_132, %lt3A_134 : i1
      %and3A_136 = arith.andi %ne3A_135, %ne3A_130 : i1
      %add3A_137 = arith.addi %rem3A_128, %select_n3A_127 : i32
      %select_n3A_138 = arith.select %and3A_136, %add3A_137, %rem3A_128 : i32
      %rem3A_139 = arith.constant 6 : i32
      %rem3A_140 = arith.constant 2 : i32
      %rem3A_141 = arith.remsi %rem3A_139, %rem3A_140 : i32
      %rem3A_142 = arith.constant 52 : i32
      %rem3A_143 = arith.constant 8 : i32
      %rem3A_144 = arith.remsi %rem3A_142, %rem3A_143 : i32
      %rem3A_145 = arith.constant 52 : i32
      %rem3A_146 = arith.constant 7 : i32
      %rem3A_147 = arith.remsi %rem3A_145, %rem3A_146 : i32
      %dma_wait3A = arith.constant 0 : i32
      %dma_wait3A_148 = arith.constant 0 : i32
      %dma_wait3A_149 = tpu.memref_slice %arg6[%rem3A_147, %dma_wait3A, %dma_wait3A_148] : memref<7x128x128xf32, #tpu.memory_space<vmem>> -> memref<1x128x128xf32, #tpu.memory_space<vmem>>
      %dma_wait3A_150 = tpu.memref_squeeze %dma_wait3A_149 : memref<1x128x128xf32, #tpu.memory_space<vmem>> -> memref<128x128xf32, #tpu.memory_space<vmem>>
      %dma_wait3A_151 = arith.constant 0 : i32
      %dma_wait3A_152 = tpu.memref_slice %arg5[%rem3A_141, %rem3A_144, %dma_wait3A_151] : memref<2x8x128xi32, #tpu.memory_space<vmem>> -> memref<1x1x128xi32, #tpu.memory_space<vmem>>
      %dma_wait3A_153 = tpu.memref_squeeze %dma_wait3A_152 : memref<1x1x128xi32, #tpu.memory_space<vmem>> -> memref<128xi32, #tpu.memory_space<vmem>>
      %dma_wait3A_154 = arith.constant 0 : i32
      %dma_wait3A_155 = arith.constant 0 : i32
      %dma_wait3A_156 = tpu.memref_slice %arg2[%dma_wait3A_154, %dma_wait3A_155] : memref<1000000x128xf32, #tpu.memory_space<hbm>> -> memref<1000000x128xf32, #tpu.memory_space<hbm>>
      tpu.wait_indirect_dma semaphore(%arg7 : memref<!tpu.dma_semaphore, #tpu.memory_space<semaphore_mem>>) src(%dma_wait3A_156 : memref<1000000x128xf32, #tpu.memory_space<hbm>>) dst(%dma_wait3A_150 : memref<128x128xf32, #tpu.memory_space<vmem>>)
      %rem3A_157 = arith.constant 52 : i32
      %rem3A_158 = arith.constant 7 : i32
      %rem3A_159 = arith.remsi %rem3A_157, %rem3A_158 : i32
      %mul3A_160 = arith.constant 8 : i32
      %mul3A_161 = arith.muli %select_n3A, %mul3A_160 : i32
      %rem3A_162 = arith.constant 52 : i32
      %rem3A_163 = arith.constant 8 : i32
      %rem3A_164 = arith.remsi %rem3A_162, %rem3A_163 : i32
      %add3A_165 = arith.addi %mul3A_161, %rem3A_164 : i32
      %mul3A_166 = arith.constant 128 : i32
      %mul3A_167 = arith.muli %select_n3A_138, %mul3A_166 : i32
      "tpu.region"() ({
        %run_scoped3A = tpu.sem_alloc : memref<!tpu.dma_semaphore, #tpu.memory_space<semaphore_mem>>
        %dma_start3A = arith.constant 0 : i32
        %dma_start3A_168 = arith.constant 0 : i32
        %dma_start3A_169 = tpu.memref_slice %arg6[%rem3A_159, %dma_start3A, %dma_start3A_168] : memref<7x128x128xf32, #tpu.memory_space<vmem>> -> memref<1x128x128xf32, #tpu.memory_space<vmem>>
        %dma_start3A_170 = tpu.memref_squeeze %dma_start3A_169 : memref<1x128x128xf32, #tpu.memory_space<vmem>> -> memref<128x128xf32, #tpu.memory_space<vmem>>
        %dma_start3A_171 = arith.constant 0 : i32
        %dma_start3A_172 = tpu.memref_slice %arg4[%add3A_165, %mul3A_167, %dma_start3A_171] : memref<200x1024x128xf32, #tpu.memory_space<hbm>> -> memref<1x128x128xf32, #tpu.memory_space<hbm>>
        %dma_start3A_173 = tpu.memref_squeeze %dma_start3A_172 : memref<1x128x128xf32, #tpu.memory_space<hbm>> -> memref<128x128xf32, #tpu.memory_space<hbm>>
        %dma_start3A_174 = arith.constant 0 : i32
        %dma_start3A_175 = tpu.memref_slice %arg4[%add3A_165, %mul3A_167, %dma_start3A_174] : memref<200x1024x128xf32, #tpu.memory_space<hbm>> -> memref<1x128x128xf32, #tpu.memory_space<hbm>>
        %dma_start3A_176 = tpu.memref_squeeze %dma_start3A_175 : memref<1x128x128xf32, #tpu.memory_space<hbm>> -> memref<128x128xf32, #tpu.memory_space<hbm>>
        %dma_start3A_177 = arith.constant 0 : i32
        %dma_start3A_178 = arith.constant 0 : i32
        %dma_start3A_179 = tpu.memref_slice %arg6[%rem3A_159, %dma_start3A_177, %dma_start3A_178] : memref<7x128x128xf32, #tpu.memory_space<vmem>> -> memref<1x128x128xf32, #tpu.memory_space<vmem>>
        %dma_start3A_180 = tpu.memref_squeeze %dma_start3A_179 : memref<1x128x128xf32, #tpu.memory_space<vmem>> -> memref<128x128xf32, #tpu.memory_space<vmem>>
        tpu.enqueue_dma source(%dma_start3A_180 : memref<128x128xf32, #tpu.memory_space<vmem>>) target(%dma_start3A_176 : memref<128x128xf32, #tpu.memory_space<hbm>>) target_semaphore(%run_scoped3A : memref<!tpu.dma_semaphore, #tpu.memory_space<semaphore_mem>>)
        %dma_wait3A_181 = arith.constant 0 : i32
        %dma_wait3A_182 = arith.constant 0 : i32
        %dma_wait3A_183 = tpu.memref_slice %arg6[%rem3A_159, %dma_wait3A_181, %dma_wait3A_182] : memref<7x128x128xf32, #tpu.memory_space<vmem>> -> memref<1x128x128xf32, #tpu.memory_space<vmem>>
        %dma_wait3A_184 = tpu.memref_squeeze %dma_wait3A_183 : memref<1x128x128xf32, #tpu.memory_space<vmem>> -> memref<128x128xf32, #tpu.memory_space<vmem>>
        %dma_wait3A_185 = arith.constant 0 : i32
        %dma_wait3A_186 = tpu.memref_slice %arg4[%add3A_165, %mul3A_167, %dma_wait3A_185] : memref<200x1024x128xf32, #tpu.memory_space<hbm>> -> memref<1x128x128xf32, #tpu.memory_space<hbm>>
        %dma_wait3A_187 = tpu.memref_squeeze %dma_wait3A_186 : memref<1x128x128xf32, #tpu.memory_space<hbm>> -> memref<128x128xf32, #tpu.memory_space<hbm>>
        %dma_wait3A_188 = arith.constant 0 : i32
        %dma_wait3A_189 = tpu.memref_slice %arg4[%add3A_165, %mul3A_167, %dma_wait3A_188] : memref<200x1024x128xf32, #tpu.memory_space<hbm>> -> memref<1x128x128xf32, #tpu.memory_space<hbm>>
        %dma_wait3A_190 = tpu.memref_squeeze %dma_wait3A_189 : memref<1x128x128xf32, #tpu.memory_space<hbm>> -> memref<128x128xf32, #tpu.memory_space<hbm>>
        %dma_wait3A_191 = arith.constant 0 : i32
        %dma_wait3A_192 = arith.constant 0 : i32
        %dma_wait3A_193 = tpu.memref_slice %arg6[%rem3A_159, %dma_wait3A_191, %dma_wait3A_192] : memref<7x128x128xf32, #tpu.memory_space<vmem>> -> memref<1x128x128xf32, #tpu.memory_space<vmem>>
        %dma_wait3A_194 = tpu.memref_squeeze %dma_wait3A_193 : memref<1x128x128xf32, #tpu.memory_space<vmem>> -> memref<128x128xf32, #tpu.memory_space<vmem>>
        tpu.wait_dma2 semaphore(%run_scoped3A : memref<!tpu.dma_semaphore, #tpu.memory_space<semaphore_mem>>) src(%dma_wait3A_194 : memref<128x128xf32, #tpu.memory_space<vmem>>) dst(%dma_wait3A_190 : memref<128x128xf32, #tpu.memory_space<hbm>>)
        tpu.yield
      }) : () -> ()
    } else {
    }
    %add3A_87 = arith.constant 192 : i32
    %add3A_88 = arith.addi %add3A, %add3A_87 : i32
    %lt3A_89 = arith.constant 200 : i32
    %lt3A_90 = arith.cmpi slt, %add3A_88, %lt3A_89 : i32
    %convert_element_type3A_91 = arith.extui %lt3A_90 : i1 to i32
    %cond3A_92 = arith.constant 0 : i32
    %cond3A_93 = arith.cmpi ne, %convert_element_type3A_91, %cond3A_92 : i32
    scf.if %cond3A_93 {
      %jit3A = arith.constant 8 : i32
      %div3A = arith.divsi %add3A_88, %jit3A : i32
      %sign3A = arith.constant 0 : i32
      %sign3A_108 = arith.cmpi sgt, %add3A_88, %sign3A : i32
      %sign3A_109 = arith.extui %sign3A_108 : i1 to i32
      %sign3A_110 = arith.constant 0 : i32
      %sign3A_111 = arith.cmpi slt, %add3A_88, %sign3A_110 : i32
      %sign3A_112 = arith.extui %sign3A_111 : i1 to i32
      %sign3A_113 = arith.subi %sign3A_109, %sign3A_112 : i32
      %sign3A_114 = arith.constant 0 : i32
      %sign3A_115 = arith.cmpi sgt, %jit3A, %sign3A_114 : i32
      %sign3A_116 = arith.extui %sign3A_115 : i1 to i32
      %sign3A_117 = arith.constant 0 : i32
      %sign3A_118 = arith.cmpi slt, %jit3A, %sign3A_117 : i32
      %sign3A_119 = arith.extui %sign3A_118 : i1 to i32
      %sign3A_120 = arith.subi %sign3A_116, %sign3A_119 : i32
      %ne3A = arith.cmpi ne, %sign3A_113, %sign3A_120 : i32
      %rem3A = arith.remsi %add3A_88, %jit3A : i32
      %ne3A_121 = arith.constant 0 : i32
      %ne3A_122 = arith.cmpi ne, %rem3A, %ne3A_121 : i32
      %and3A = arith.andi %ne3A, %ne3A_122 : i1
      %sub3A = arith.constant 1 : i32
      %sub3A_123 = arith.subi %div3A, %sub3A : i32
      %select_n3A = arith.select %and3A, %sub3A_123, %div3A : i32
      %jit3A_124 = arith.constant 8 : i32
      %eq3A = arith.constant 0 : i32
      %eq3A_125 = arith.cmpi eq, %jit3A_124, %eq3A : i32
      %jit3A_126 = arith.constant 1 : i32
      %select_n3A_127 = arith.select %eq3A_125, %jit3A_126, %jit3A_124 : i32
      %rem3A_128 = arith.remsi %add3A_88, %select_n3A_127 : i32
      %ne3A_129 = arith.constant 0 : i32
      %ne3A_130 = arith.cmpi ne, %rem3A_128, %ne3A_129 : i32
      %lt3A_131 = arith.constant 0 : i32
      %lt3A_132 = arith.cmpi slt, %rem3A_128, %lt3A_131 : i32
      %lt3A_133 = arith.constant 0 : i32
      %lt3A_134 = arith.cmpi slt, %select_n3A_127, %lt3A_133 : i32
      %ne3A_135 = arith.xori %lt3A_132, %lt3A_134 : i1
      %and3A_136 = arith.andi %ne3A_135, %ne3A_130 : i1
      %add3A_137 = arith.addi %rem3A_128, %select_n3A_127 : i32
      %select_n3A_138 = arith.select %and3A_136, %add3A_137, %rem3A_128 : i32
      %rem3A_139 = arith.constant 6 : i32
      %rem3A_140 = arith.constant 2 : i32
      %rem3A_141 = arith.remsi %rem3A_139, %rem3A_140 : i32
      %rem3A_142 = arith.constant 53 : i32
      %rem3A_143 = arith.constant 8 : i32
      %rem3A_144 = arith.remsi %rem3A_142, %rem3A_143 : i32
      %rem3A_145 = arith.constant 53 : i32
      %rem3A_146 = arith.constant 7 : i32
      %rem3A_147 = arith.remsi %rem3A_145, %rem3A_146 : i32
      %dma_wait3A = arith.constant 0 : i32
      %dma_wait3A_148 = arith.constant 0 : i32
      %dma_wait3A_149 = tpu.memref_slice %arg6[%rem3A_147, %dma_wait3A, %dma_wait3A_148] : memref<7x128x128xf32, #tpu.memory_space<vmem>> -> memref<1x128x128xf32, #tpu.memory_space<vmem>>
      %dma_wait3A_150 = tpu.memref_squeeze %dma_wait3A_149 : memref<1x128x128xf32, #tpu.memory_space<vmem>> -> memref<128x128xf32, #tpu.memory_space<vmem>>
      %dma_wait3A_151 = arith.constant 0 : i32
      %dma_wait3A_152 = tpu.memref_slice %arg5[%rem3A_141, %rem3A_144, %dma_wait3A_151] : memref<2x8x128xi32, #tpu.memory_space<vmem>> -> memref<1x1x128xi32, #tpu.memory_space<vmem>>
      %dma_wait3A_153 = tpu.memref_squeeze %dma_wait3A_152 : memref<1x1x128xi32, #tpu.memory_space<vmem>> -> memref<128xi32, #tpu.memory_space<vmem>>
      %dma_wait3A_154 = arith.constant 0 : i32
      %dma_wait3A_155 = arith.constant 0 : i32
      %dma_wait3A_156 = tpu.memref_slice %arg2[%dma_wait3A_154, %dma_wait3A_155] : memref<1000000x128xf32, #tpu.memory_space<hbm>> -> memref<1000000x128xf32, #tpu.memory_space<hbm>>
      tpu.wait_indirect_dma semaphore(%arg7 : memref<!tpu.dma_semaphore, #tpu.memory_space<semaphore_mem>>) src(%dma_wait3A_156 : memref<1000000x128xf32, #tpu.memory_space<hbm>>) dst(%dma_wait3A_150 : memref<128x128xf32, #tpu.memory_space<vmem>>)
      %rem3A_157 = arith.constant 53 : i32
      %rem3A_158 = arith.constant 7 : i32
      %rem3A_159 = arith.remsi %rem3A_157, %rem3A_158 : i32
      %mul3A_160 = arith.constant 8 : i32
      %mul3A_161 = arith.muli %select_n3A, %mul3A_160 : i32
      %rem3A_162 = arith.constant 53 : i32
      %rem3A_163 = arith.constant 8 : i32
      %rem3A_164 = arith.remsi %rem3A_162, %rem3A_163 : i32
      %add3A_165 = arith.addi %mul3A_161, %rem3A_164 : i32
      %mul3A_166 = arith.constant 128 : i32
      %mul3A_167 = arith.muli %select_n3A_138, %mul3A_166 : i32
      "tpu.region"() ({
        %run_scoped3A = tpu.sem_alloc : memref<!tpu.dma_semaphore, #tpu.memory_space<semaphore_mem>>
        %dma_start3A = arith.constant 0 : i32
        %dma_start3A_168 = arith.constant 0 : i32
        %dma_start3A_169 = tpu.memref_slice %arg6[%rem3A_159, %dma_start3A, %dma_start3A_168] : memref<7x128x128xf32, #tpu.memory_space<vmem>> -> memref<1x128x128xf32, #tpu.memory_space<vmem>>
        %dma_start3A_170 = tpu.memref_squeeze %dma_start3A_169 : memref<1x128x128xf32, #tpu.memory_space<vmem>> -> memref<128x128xf32, #tpu.memory_space<vmem>>
        %dma_start3A_171 = arith.constant 0 : i32
        %dma_start3A_172 = tpu.memref_slice %arg4[%add3A_165, %mul3A_167, %dma_start3A_171] : memref<200x1024x128xf32, #tpu.memory_space<hbm>> -> memref<1x128x128xf32, #tpu.memory_space<hbm>>
        %dma_start3A_173 = tpu.memref_squeeze %dma_start3A_172 : memref<1x128x128xf32, #tpu.memory_space<hbm>> -> memref<128x128xf32, #tpu.memory_space<hbm>>
        %dma_start3A_174 = arith.constant 0 : i32
        %dma_start3A_175 = tpu.memref_slice %arg4[%add3A_165, %mul3A_167, %dma_start3A_174] : memref<200x1024x128xf32, #tpu.memory_space<hbm>> -> memref<1x128x128xf32, #tpu.memory_space<hbm>>
        %dma_start3A_176 = tpu.memref_squeeze %dma_start3A_175 : memref<1x128x128xf32, #tpu.memory_space<hbm>> -> memref<128x128xf32, #tpu.memory_space<hbm>>
        %dma_start3A_177 = arith.constant 0 : i32
        %dma_start3A_178 = arith.constant 0 : i32
        %dma_start3A_179 = tpu.memref_slice %arg6[%rem3A_159, %dma_start3A_177, %dma_start3A_178] : memref<7x128x128xf32, #tpu.memory_space<vmem>> -> memref<1x128x128xf32, #tpu.memory_space<vmem>>
        %dma_start3A_180 = tpu.memref_squeeze %dma_start3A_179 : memref<1x128x128xf32, #tpu.memory_space<vmem>> -> memref<128x128xf32, #tpu.memory_space<vmem>>
        tpu.enqueue_dma source(%dma_start3A_180 : memref<128x128xf32, #tpu.memory_space<vmem>>) target(%dma_start3A_176 : memref<128x128xf32, #tpu.memory_space<hbm>>) target_semaphore(%run_scoped3A : memref<!tpu.dma_semaphore, #tpu.memory_space<semaphore_mem>>)
        %dma_wait3A_181 = arith.constant 0 : i32
        %dma_wait3A_182 = arith.constant 0 : i32
        %dma_wait3A_183 = tpu.memref_slice %arg6[%rem3A_159, %dma_wait3A_181, %dma_wait3A_182] : memref<7x128x128xf32, #tpu.memory_space<vmem>> -> memref<1x128x128xf32, #tpu.memory_space<vmem>>
        %dma_wait3A_184 = tpu.memref_squeeze %dma_wait3A_183 : memref<1x128x128xf32, #tpu.memory_space<vmem>> -> memref<128x128xf32, #tpu.memory_space<vmem>>
        %dma_wait3A_185 = arith.constant 0 : i32
        %dma_wait3A_186 = tpu.memref_slice %arg4[%add3A_165, %mul3A_167, %dma_wait3A_185] : memref<200x1024x128xf32, #tpu.memory_space<hbm>> -> memref<1x128x128xf32, #tpu.memory_space<hbm>>
        %dma_wait3A_187 = tpu.memref_squeeze %dma_wait3A_186 : memref<1x128x128xf32, #tpu.memory_space<hbm>> -> memref<128x128xf32, #tpu.memory_space<hbm>>
        %dma_wait3A_188 = arith.constant 0 : i32
        %dma_wait3A_189 = tpu.memref_slice %arg4[%add3A_165, %mul3A_167, %dma_wait3A_188] : memref<200x1024x128xf32, #tpu.memory_space<hbm>> -> memref<1x128x128xf32, #tpu.memory_space<hbm>>
        %dma_wait3A_190 = tpu.memref_squeeze %dma_wait3A_189 : memref<1x128x128xf32, #tpu.memory_space<hbm>> -> memref<128x128xf32, #tpu.memory_space<hbm>>
        %dma_wait3A_191 = arith.constant 0 : i32
        %dma_wait3A_192 = arith.constant 0 : i32
        %dma_wait3A_193 = tpu.memref_slice %arg6[%rem3A_159, %dma_wait3A_191, %dma_wait3A_192] : memref<7x128x128xf32, #tpu.memory_space<vmem>> -> memref<1x128x128xf32, #tpu.memory_space<vmem>>
        %dma_wait3A_194 = tpu.memref_squeeze %dma_wait3A_193 : memref<1x128x128xf32, #tpu.memory_space<vmem>> -> memref<128x128xf32, #tpu.memory_space<vmem>>
        tpu.wait_dma2 semaphore(%run_scoped3A : memref<!tpu.dma_semaphore, #tpu.memory_space<semaphore_mem>>) src(%dma_wait3A_194 : memref<128x128xf32, #tpu.memory_space<vmem>>) dst(%dma_wait3A_190 : memref<128x128xf32, #tpu.memory_space<hbm>>)
        tpu.yield
      }) : () -> ()
    } else {
    }
    %add3A_94 = arith.constant 192 : i32
    %add3A_95 = arith.addi %add3A, %add3A_94 : i32
    %lt3A_96 = arith.constant 200 : i32
    %lt3A_97 = arith.cmpi slt, %add3A_95, %lt3A_96 : i32
    %convert_element_type3A_98 = arith.extui %lt3A_97 : i1 to i32
    %cond3A_99 = arith.constant 0 : i32
    %cond3A_100 = arith.cmpi ne, %convert_element_type3A_98, %cond3A_99 : i32
    scf.if %cond3A_100 {
      %jit3A = arith.constant 8 : i32
      %div3A = arith.divsi %add3A_95, %jit3A : i32
      %sign3A = arith.constant 0 : i32
      %sign3A_108 = arith.cmpi sgt, %add3A_95, %sign3A : i32
      %sign3A_109 = arith.extui %sign3A_108 : i1 to i32
      %sign3A_110 = arith.constant 0 : i32
      %sign3A_111 = arith.cmpi slt, %add3A_95, %sign3A_110 : i32
      %sign3A_112 = arith.extui %sign3A_111 : i1 to i32
      %sign3A_113 = arith.subi %sign3A_109, %sign3A_112 : i32
      %sign3A_114 = arith.constant 0 : i32
      %sign3A_115 = arith.cmpi sgt, %jit3A, %sign3A_114 : i32
      %sign3A_116 = arith.extui %sign3A_115 : i1 to i32
      %sign3A_117 = arith.constant 0 : i32
      %sign3A_118 = arith.cmpi slt, %jit3A, %sign3A_117 : i32
      %sign3A_119 = arith.extui %sign3A_118 : i1 to i32
      %sign3A_120 = arith.subi %sign3A_116, %sign3A_119 : i32
      %ne3A = arith.cmpi ne, %sign3A_113, %sign3A_120 : i32
      %rem3A = arith.remsi %add3A_95, %jit3A : i32
      %ne3A_121 = arith.constant 0 : i32
      %ne3A_122 = arith.cmpi ne, %rem3A, %ne3A_121 : i32
      %and3A = arith.andi %ne3A, %ne3A_122 : i1
      %sub3A = arith.constant 1 : i32
      %sub3A_123 = arith.subi %div3A, %sub3A : i32
      %select_n3A = arith.select %and3A, %sub3A_123, %div3A : i32
      %jit3A_124 = arith.constant 8 : i32
      %eq3A = arith.constant 0 : i32
      %eq3A_125 = arith.cmpi eq, %jit3A_124, %eq3A : i32
      %jit3A_126 = arith.constant 1 : i32
      %select_n3A_127 = arith.select %eq3A_125, %jit3A_126, %jit3A_124 : i32
      %rem3A_128 = arith.remsi %add3A_95, %select_n3A_127 : i32
      %ne3A_129 = arith.constant 0 : i32
      %ne3A_130 = arith.cmpi ne, %rem3A_128, %ne3A_129 : i32
      %lt3A_131 = arith.constant 0 : i32
      %lt3A_132 = arith.cmpi slt, %rem3A_128, %lt3A_131 : i32
      %lt3A_133 = arith.constant 0 : i32
      %lt3A_134 = arith.cmpi slt, %select_n3A_127, %lt3A_133 : i32
      %ne3A_135 = arith.xori %lt3A_132, %lt3A_134 : i1
      %and3A_136 = arith.andi %ne3A_135, %ne3A_130 : i1
      %add3A_137 = arith.addi %rem3A_128, %select_n3A_127 : i32
      %select_n3A_138 = arith.select %and3A_136, %add3A_137, %rem3A_128 : i32
      %rem3A_139 = arith.constant 6 : i32
      %rem3A_140 = arith.constant 2 : i32
      %rem3A_141 = arith.remsi %rem3A_139, %rem3A_140 : i32
      %rem3A_142 = arith.constant 54 : i32
      %rem3A_143 = arith.constant 8 : i32
      %rem3A_144 = arith.remsi %rem3A_142, %rem3A_143 : i32
      %rem3A_145 = arith.constant 54 : i32
      %rem3A_146 = arith.constant 7 : i32
      %rem3A_147 = arith.remsi %rem3A_145, %rem3A_146 : i32
      %dma_wait3A = arith.constant 0 : i32
      %dma_wait3A_148 = arith.constant 0 : i32
      %dma_wait3A_149 = tpu.memref_slice %arg6[%rem3A_147, %dma_wait3A, %dma_wait3A_148] : memref<7x128x128xf32, #tpu.memory_space<vmem>> -> memref<1x128x128xf32, #tpu.memory_space<vmem>>
      %dma_wait3A_150 = tpu.memref_squeeze %dma_wait3A_149 : memref<1x128x128xf32, #tpu.memory_space<vmem>> -> memref<128x128xf32, #tpu.memory_space<vmem>>
      %dma_wait3A_151 = arith.constant 0 : i32
      %dma_wait3A_152 = tpu.memref_slice %arg5[%rem3A_141, %rem3A_144, %dma_wait3A_151] : memref<2x8x128xi32, #tpu.memory_space<vmem>> -> memref<1x1x128xi32, #tpu.memory_space<vmem>>
      %dma_wait3A_153 = tpu.memref_squeeze %dma_wait3A_152 : memref<1x1x128xi32, #tpu.memory_space<vmem>> -> memref<128xi32, #tpu.memory_space<vmem>>
      %dma_wait3A_154 = arith.constant 0 : i32
      %dma_wait3A_155 = arith.constant 0 : i32
      %dma_wait3A_156 = tpu.memref_slice %arg2[%dma_wait3A_154, %dma_wait3A_155] : memref<1000000x128xf32, #tpu.memory_space<hbm>> -> memref<1000000x128xf32, #tpu.memory_space<hbm>>
      tpu.wait_indirect_dma semaphore(%arg7 : memref<!tpu.dma_semaphore, #tpu.memory_space<semaphore_mem>>) src(%dma_wait3A_156 : memref<1000000x128xf32, #tpu.memory_space<hbm>>) dst(%dma_wait3A_150 : memref<128x128xf32, #tpu.memory_space<vmem>>)
      %rem3A_157 = arith.constant 54 : i32
      %rem3A_158 = arith.constant 7 : i32
      %rem3A_159 = arith.remsi %rem3A_157, %rem3A_158 : i32
      %mul3A_160 = arith.constant 8 : i32
      %mul3A_161 = arith.muli %select_n3A, %mul3A_160 : i32
      %rem3A_162 = arith.constant 54 : i32
      %rem3A_163 = arith.constant 8 : i32
      %rem3A_164 = arith.remsi %rem3A_162, %rem3A_163 : i32
      %add3A_165 = arith.addi %mul3A_161, %rem3A_164 : i32
      %mul3A_166 = arith.constant 128 : i32
      %mul3A_167 = arith.muli %select_n3A_138, %mul3A_166 : i32
      "tpu.region"() ({
        %run_scoped3A = tpu.sem_alloc : memref<!tpu.dma_semaphore, #tpu.memory_space<semaphore_mem>>
        %dma_start3A = arith.constant 0 : i32
        %dma_start3A_168 = arith.constant 0 : i32
        %dma_start3A_169 = tpu.memref_slice %arg6[%rem3A_159, %dma_start3A, %dma_start3A_168] : memref<7x128x128xf32, #tpu.memory_space<vmem>> -> memref<1x128x128xf32, #tpu.memory_space<vmem>>
        %dma_start3A_170 = tpu.memref_squeeze %dma_start3A_169 : memref<1x128x128xf32, #tpu.memory_space<vmem>> -> memref<128x128xf32, #tpu.memory_space<vmem>>
        %dma_start3A_171 = arith.constant 0 : i32
        %dma_start3A_172 = tpu.memref_slice %arg4[%add3A_165, %mul3A_167, %dma_start3A_171] : memref<200x1024x128xf32, #tpu.memory_space<hbm>> -> memref<1x128x128xf32, #tpu.memory_space<hbm>>
        %dma_start3A_173 = tpu.memref_squeeze %dma_start3A_172 : memref<1x128x128xf32, #tpu.memory_space<hbm>> -> memref<128x128xf32, #tpu.memory_space<hbm>>
        %dma_start3A_174 = arith.constant 0 : i32
        %dma_start3A_175 = tpu.memref_slice %arg4[%add3A_165, %mul3A_167, %dma_start3A_174] : memref<200x1024x128xf32, #tpu.memory_space<hbm>> -> memref<1x128x128xf32, #tpu.memory_space<hbm>>
        %dma_start3A_176 = tpu.memref_squeeze %dma_start3A_175 : memref<1x128x128xf32, #tpu.memory_space<hbm>> -> memref<128x128xf32, #tpu.memory_space<hbm>>
        %dma_start3A_177 = arith.constant 0 : i32
        %dma_start3A_178 = arith.constant 0 : i32
        %dma_start3A_179 = tpu.memref_slice %arg6[%rem3A_159, %dma_start3A_177, %dma_start3A_178] : memref<7x128x128xf32, #tpu.memory_space<vmem>> -> memref<1x128x128xf32, #tpu.memory_space<vmem>>
        %dma_start3A_180 = tpu.memref_squeeze %dma_start3A_179 : memref<1x128x128xf32, #tpu.memory_space<vmem>> -> memref<128x128xf32, #tpu.memory_space<vmem>>
        tpu.enqueue_dma source(%dma_start3A_180 : memref<128x128xf32, #tpu.memory_space<vmem>>) target(%dma_start3A_176 : memref<128x128xf32, #tpu.memory_space<hbm>>) target_semaphore(%run_scoped3A : memref<!tpu.dma_semaphore, #tpu.memory_space<semaphore_mem>>)
        %dma_wait3A_181 = arith.constant 0 : i32
        %dma_wait3A_182 = arith.constant 0 : i32
        %dma_wait3A_183 = tpu.memref_slice %arg6[%rem3A_159, %dma_wait3A_181, %dma_wait3A_182] : memref<7x128x128xf32, #tpu.memory_space<vmem>> -> memref<1x128x128xf32, #tpu.memory_space<vmem>>
        %dma_wait3A_184 = tpu.memref_squeeze %dma_wait3A_183 : memref<1x128x128xf32, #tpu.memory_space<vmem>> -> memref<128x128xf32, #tpu.memory_space<vmem>>
        %dma_wait3A_185 = arith.constant 0 : i32
        %dma_wait3A_186 = tpu.memref_slice %arg4[%add3A_165, %mul3A_167, %dma_wait3A_185] : memref<200x1024x128xf32, #tpu.memory_space<hbm>> -> memref<1x128x128xf32, #tpu.memory_space<hbm>>
        %dma_wait3A_187 = tpu.memref_squeeze %dma_wait3A_186 : memref<1x128x128xf32, #tpu.memory_space<hbm>> -> memref<128x128xf32, #tpu.memory_space<hbm>>
        %dma_wait3A_188 = arith.constant 0 : i32
        %dma_wait3A_189 = tpu.memref_slice %arg4[%add3A_165, %mul3A_167, %dma_wait3A_188] : memref<200x1024x128xf32, #tpu.memory_space<hbm>> -> memref<1x128x128xf32, #tpu.memory_space<hbm>>
        %dma_wait3A_190 = tpu.memref_squeeze %dma_wait3A_189 : memref<1x128x128xf32, #tpu.memory_space<hbm>> -> memref<128x128xf32, #tpu.memory_space<hbm>>
        %dma_wait3A_191 = arith.constant 0 : i32
        %dma_wait3A_192 = arith.constant 0 : i32
        %dma_wait3A_193 = tpu.memref_slice %arg6[%rem3A_159, %dma_wait3A_191, %dma_wait3A_192] : memref<7x128x128xf32, #tpu.memory_space<vmem>> -> memref<1x128x128xf32, #tpu.memory_space<vmem>>
        %dma_wait3A_194 = tpu.memref_squeeze %dma_wait3A_193 : memref<1x128x128xf32, #tpu.memory_space<vmem>> -> memref<128x128xf32, #tpu.memory_space<vmem>>
        tpu.wait_dma2 semaphore(%run_scoped3A : memref<!tpu.dma_semaphore, #tpu.memory_space<semaphore_mem>>) src(%dma_wait3A_194 : memref<128x128xf32, #tpu.memory_space<vmem>>) dst(%dma_wait3A_190 : memref<128x128xf32, #tpu.memory_space<hbm>>)
        tpu.yield
      }) : () -> ()
    } else {
    }
    %add3A_101 = arith.constant 192 : i32
    %add3A_102 = arith.addi %add3A, %add3A_101 : i32
    %lt3A_103 = arith.constant 200 : i32
    %lt3A_104 = arith.cmpi slt, %add3A_102, %lt3A_103 : i32
    %convert_element_type3A_105 = arith.extui %lt3A_104 : i1 to i32
    %cond3A_106 = arith.constant 0 : i32
    %cond3A_107 = arith.cmpi ne, %convert_element_type3A_105, %cond3A_106 : i32
    scf.if %cond3A_107 {
      %jit3A = arith.constant 8 : i32
      %div3A = arith.divsi %add3A_102, %jit3A : i32
      %sign3A = arith.constant 0 : i32
      %sign3A_108 = arith.cmpi sgt, %add3A_102, %sign3A : i32
      %sign3A_109 = arith.extui %sign3A_108 : i1 to i32
      %sign3A_110 = arith.constant 0 : i32
      %sign3A_111 = arith.cmpi slt, %add3A_102, %sign3A_110 : i32
      %sign3A_112 = arith.extui %sign3A_111 : i1 to i32
      %sign3A_113 = arith.subi %sign3A_109, %sign3A_112 : i32
      %sign3A_114 = arith.constant 0 : i32
      %sign3A_115 = arith.cmpi sgt, %jit3A, %sign3A_114 : i32
      %sign3A_116 = arith.extui %sign3A_115 : i1 to i32
      %sign3A_117 = arith.constant 0 : i32
      %sign3A_118 = arith.cmpi slt, %jit3A, %sign3A_117 : i32
      %sign3A_119 = arith.extui %sign3A_118 : i1 to i32
      %sign3A_120 = arith.subi %sign3A_116, %sign3A_119 : i32
      %ne3A = arith.cmpi ne, %sign3A_113, %sign3A_120 : i32
      %rem3A = arith.remsi %add3A_102, %jit3A : i32
      %ne3A_121 = arith.constant 0 : i32
      %ne3A_122 = arith.cmpi ne, %rem3A, %ne3A_121 : i32
      %and3A = arith.andi %ne3A, %ne3A_122 : i1
      %sub3A = arith.constant 1 : i32
      %sub3A_123 = arith.subi %div3A, %sub3A : i32
      %select_n3A = arith.select %and3A, %sub3A_123, %div3A : i32
      %jit3A_124 = arith.constant 8 : i32
      %eq3A = arith.constant 0 : i32
      %eq3A_125 = arith.cmpi eq, %jit3A_124, %eq3A : i32
      %jit3A_126 = arith.constant 1 : i32
      %select_n3A_127 = arith.select %eq3A_125, %jit3A_126, %jit3A_124 : i32
      %rem3A_128 = arith.remsi %add3A_102, %select_n3A_127 : i32
      %ne3A_129 = arith.constant 0 : i32
      %ne3A_130 = arith.cmpi ne, %rem3A_128, %ne3A_129 : i32
      %lt3A_131 = arith.constant 0 : i32
      %lt3A_132 = arith.cmpi slt, %rem3A_128, %lt3A_131 : i32
      %lt3A_133 = arith.constant 0 : i32
      %lt3A_134 = arith.cmpi slt, %select_n3A_127, %lt3A_133 : i32
      %ne3A_135 = arith.xori %lt3A_132, %lt3A_134 : i1
      %and3A_136 = arith.andi %ne3A_135, %ne3A_130 : i1
      %add3A_137 = arith.addi %rem3A_128, %select_n3A_127 : i32
      %select_n3A_138 = arith.select %and3A_136, %add3A_137, %rem3A_128 : i32
      %rem3A_139 = arith.constant 6 : i32
      %rem3A_140 = arith.constant 2 : i32
      %rem3A_141 = arith.remsi %rem3A_139, %rem3A_140 : i32
      %rem3A_142 = arith.constant 55 : i32
      %rem3A_143 = arith.constant 8 : i32
      %rem3A_144 = arith.remsi %rem3A_142, %rem3A_143 : i32
      %rem3A_145 = arith.constant 55 : i32
      %rem3A_146 = arith.constant 7 : i32
      %rem3A_147 = arith.remsi %rem3A_145, %rem3A_146 : i32
      %dma_wait3A = arith.constant 0 : i32
      %dma_wait3A_148 = arith.constant 0 : i32
      %dma_wait3A_149 = tpu.memref_slice %arg6[%rem3A_147, %dma_wait3A, %dma_wait3A_148] : memref<7x128x128xf32, #tpu.memory_space<vmem>> -> memref<1x128x128xf32, #tpu.memory_space<vmem>>
      %dma_wait3A_150 = tpu.memref_squeeze %dma_wait3A_149 : memref<1x128x128xf32, #tpu.memory_space<vmem>> -> memref<128x128xf32, #tpu.memory_space<vmem>>
      %dma_wait3A_151 = arith.constant 0 : i32
      %dma_wait3A_152 = tpu.memref_slice %arg5[%rem3A_141, %rem3A_144, %dma_wait3A_151] : memref<2x8x128xi32, #tpu.memory_space<vmem>> -> memref<1x1x128xi32, #tpu.memory_space<vmem>>
      %dma_wait3A_153 = tpu.memref_squeeze %dma_wait3A_152 : memref<1x1x128xi32, #tpu.memory_space<vmem>> -> memref<128xi32, #tpu.memory_space<vmem>>
      %dma_wait3A_154 = arith.constant 0 : i32
      %dma_wait3A_155 = arith.constant 0 : i32
      %dma_wait3A_156 = tpu.memref_slice %arg2[%dma_wait3A_154, %dma_wait3A_155] : memref<1000000x128xf32, #tpu.memory_space<hbm>> -> memref<1000000x128xf32, #tpu.memory_space<hbm>>
      tpu.wait_indirect_dma semaphore(%arg7 : memref<!tpu.dma_semaphore, #tpu.memory_space<semaphore_mem>>) src(%dma_wait3A_156 : memref<1000000x128xf32, #tpu.memory_space<hbm>>) dst(%dma_wait3A_150 : memref<128x128xf32, #tpu.memory_space<vmem>>)
      %rem3A_157 = arith.constant 55 : i32
      %rem3A_158 = arith.constant 7 : i32
      %rem3A_159 = arith.remsi %rem3A_157, %rem3A_158 : i32
      %mul3A_160 = arith.constant 8 : i32
      %mul3A_161 = arith.muli %select_n3A, %mul3A_160 : i32
      %rem3A_162 = arith.constant 55 : i32
      %rem3A_163 = arith.constant 8 : i32
      %rem3A_164 = arith.remsi %rem3A_162, %rem3A_163 : i32
      %add3A_165 = arith.addi %mul3A_161, %rem3A_164 : i32
      %mul3A_166 = arith.constant 128 : i32
      %mul3A_167 = arith.muli %select_n3A_138, %mul3A_166 : i32
      "tpu.region"() ({
        %run_scoped3A = tpu.sem_alloc : memref<!tpu.dma_semaphore, #tpu.memory_space<semaphore_mem>>
        %dma_start3A = arith.constant 0 : i32
        %dma_start3A_168 = arith.constant 0 : i32
        %dma_start3A_169 = tpu.memref_slice %arg6[%rem3A_159, %dma_start3A, %dma_start3A_168] : memref<7x128x128xf32, #tpu.memory_space<vmem>> -> memref<1x128x128xf32, #tpu.memory_space<vmem>>
        %dma_start3A_170 = tpu.memref_squeeze %dma_start3A_169 : memref<1x128x128xf32, #tpu.memory_space<vmem>> -> memref<128x128xf32, #tpu.memory_space<vmem>>
        %dma_start3A_171 = arith.constant 0 : i32
        %dma_start3A_172 = tpu.memref_slice %arg4[%add3A_165, %mul3A_167, %dma_start3A_171] : memref<200x1024x128xf32, #tpu.memory_space<hbm>> -> memref<1x128x128xf32, #tpu.memory_space<hbm>>
        %dma_start3A_173 = tpu.memref_squeeze %dma_start3A_172 : memref<1x128x128xf32, #tpu.memory_space<hbm>> -> memref<128x128xf32, #tpu.memory_space<hbm>>
        %dma_start3A_174 = arith.constant 0 : i32
        %dma_start3A_175 = tpu.memref_slice %arg4[%add3A_165, %mul3A_167, %dma_start3A_174] : memref<200x1024x128xf32, #tpu.memory_space<hbm>> -> memref<1x128x128xf32, #tpu.memory_space<hbm>>
        %dma_start3A_176 = tpu.memref_squeeze %dma_start3A_175 : memref<1x128x128xf32, #tpu.memory_space<hbm>> -> memref<128x128xf32, #tpu.memory_space<hbm>>
        %dma_start3A_177 = arith.constant 0 : i32
        %dma_start3A_178 = arith.constant 0 : i32
        %dma_start3A_179 = tpu.memref_slice %arg6[%rem3A_159, %dma_start3A_177, %dma_start3A_178] : memref<7x128x128xf32, #tpu.memory_space<vmem>> -> memref<1x128x128xf32, #tpu.memory_space<vmem>>
        %dma_start3A_180 = tpu.memref_squeeze %dma_start3A_179 : memref<1x128x128xf32, #tpu.memory_space<vmem>> -> memref<128x128xf32, #tpu.memory_space<vmem>>
        tpu.enqueue_dma source(%dma_start3A_180 : memref<128x128xf32, #tpu.memory_space<vmem>>) target(%dma_start3A_176 : memref<128x128xf32, #tpu.memory_space<hbm>>) target_semaphore(%run_scoped3A : memref<!tpu.dma_semaphore, #tpu.memory_space<semaphore_mem>>)
        %dma_wait3A_181 = arith.constant 0 : i32
        %dma_wait3A_182 = arith.constant 0 : i32
        %dma_wait3A_183 = tpu.memref_slice %arg6[%rem3A_159, %dma_wait3A_181, %dma_wait3A_182] : memref<7x128x128xf32, #tpu.memory_space<vmem>> -> memref<1x128x128xf32, #tpu.memory_space<vmem>>
        %dma_wait3A_184 = tpu.memref_squeeze %dma_wait3A_183 : memref<1x128x128xf32, #tpu.memory_space<vmem>> -> memref<128x128xf32, #tpu.memory_space<vmem>>
        %dma_wait3A_185 = arith.constant 0 : i32
        %dma_wait3A_186 = tpu.memref_slice %arg4[%add3A_165, %mul3A_167, %dma_wait3A_185] : memref<200x1024x128xf32, #tpu.memory_space<hbm>> -> memref<1x128x128xf32, #tpu.memory_space<hbm>>
        %dma_wait3A_187 = tpu.memref_squeeze %dma_wait3A_186 : memref<1x128x128xf32, #tpu.memory_space<hbm>> -> memref<128x128xf32, #tpu.memory_space<hbm>>
        %dma_wait3A_188 = arith.constant 0 : i32
        %dma_wait3A_189 = tpu.memref_slice %arg4[%add3A_165, %mul3A_167, %dma_wait3A_188] : memref<200x1024x128xf32, #tpu.memory_space<hbm>> -> memref<1x128x128xf32, #tpu.memory_space<hbm>>
        %dma_wait3A_190 = tpu.memref_squeeze %dma_wait3A_189 : memref<1x128x128xf32, #tpu.memory_space<hbm>> -> memref<128x128xf32, #tpu.memory_space<hbm>>
        %dma_wait3A_191 = arith.constant 0 : i32
        %dma_wait3A_192 = arith.constant 0 : i32
        %dma_wait3A_193 = tpu.memref_slice %arg6[%rem3A_159, %dma_wait3A_191, %dma_wait3A_192] : memref<7x128x128xf32, #tpu.memory_space<vmem>> -> memref<1x128x128xf32, #tpu.memory_space<vmem>>
        %dma_wait3A_194 = tpu.memref_squeeze %dma_wait3A_193 : memref<1x128x128xf32, #tpu.memory_space<vmem>> -> memref<128x128xf32, #tpu.memory_space<vmem>>
        tpu.wait_dma2 semaphore(%run_scoped3A : memref<!tpu.dma_semaphore, #tpu.memory_space<semaphore_mem>>) src(%dma_wait3A_194 : memref<128x128xf32, #tpu.memory_space<vmem>>) dst(%dma_wait3A_190 : memref<128x128xf32, #tpu.memory_space<hbm>>)
        tpu.yield
      }) : () -> ()
    } else {
    }
    return
  }
}

</mosaic_0001>

<sc_bundles>
// kernel: kernel.3.cloned.1.call-start
scs
__scs_entry_jumppad:
0x0: {  	(pc) =	sbr.rel $0x88, $3  }
0x1: {  	(tag) =	ssettag $0x0;
	lr =	simm.s32 $0x1  }
0x2: {  	[smem:$0x3F9F] =	sst lr;
	_ =	strace $0xD0000000  }
0x3: {  	_ = 	snop  }
0x4: {  	_ = 	snop  }
0x5: {  	_ = 	snop  }
0x6: {  	_ = 	snop  }
0x7: {  	_ = 	snop  }
__scs_overlays_trampoline_lowered:
0x8: {  	[smem:$0x3FAE] =	sst s0  }
0x9: {  	[smem:$0x3FAF] =	sst s1  }
0xa: {  	[smem:$0x3FB0] =	sst s2  }
0xb: {  	[smem:$0x3FB1] =	sst s3  }
0xc: {  	[smem:$0x3FB2] =	sst s4  }
0xd: {  	[smem:$0x3FB3] =	sst s5  }
0xe: {  	[smem:$0x3FB4] =	sst s6  }
0xf: {  	[smem:$0x3FB5] =	sst s7  }
0x10: {  	[smem:$0x3FB6] =	sst s8  }
0x11: {  	[smem:$0x3FB7] =	sst s9;
	s0 =	simm.s32 @!p0 $0x0  }
0x12: {  	s1 =	sld [smem:$0x3F9D];
	s0 =	simm.s32 @p0 $0x1  }
0x13: {  	[smem:$0x3FB8] =	sst s0;
	s0 =	simm.s32 @!p1 $0x0  }
0x14: {  	s2 =	sld [smem:$0x3F9C];
	s0 =	simm.s32 @p1 $0x1  }
0x15: {  	[smem:$0x3FB9] =	sst s0;
	s0 =	simm.s32 @!p2 $0x0  }
0x16: {  	s3 =	sld [smem:$0x3FDB];
	s0 =	simm.s32 @p2 $0x1  }
0x17: {  	s4 =	simm.s32 $0x1BF5;
	[smem:$0x3FBB] =	sst s0  }
0x18: {  	s0 =	sld [smem:$0x3F9E];
	_ =	swait.ge [sflag:s4], $0x0  }
0x19: {  	s7 =	sld [smem:$0x3F9F]  }
0x1a: {  	s8 =	sadd.s32 $0xFFFFE003, lr  }
0x1b: {  	s9 =	sadd.s32 $0xFFFFFEF7, lr;
	s5 =	simm.s32 $0xFFFFFFFF;
	p2 =	slt.u32 s8, $0xFFFFF086  }
0x1c: {  	p1 =	slt.u32 s9, $0xF7A;
	s5 =	simm.s32 @!p2 $0x0  }
0x1d: {  	s5 =	simm.s32 @p1 $0x1;
	p0 =	seq.s32 s7, s2  }
0x1e: {  	s7 =	smul.u32 @!p0 $0xF7A, s2;
	p2 =	seq.s32 @!p0 s5, $0x0  }
0x1f: {  	s9 =	smul.u32 $0xF7A, s1;
	s8 =	simm.s32 @!p0 $0x1BF5;
	p2 =	por !p2, p0  }
0x20: {  	[sflag:s8] =	ssyncset.s32 @!p0 $0xFFFFF086;
	s6 =	sadd.s32 @!p0 s3, s7;
	s7 =	simm.s32 @!p0 $0x108  }
0x21: {  	s3 =	sadd.s32 s3, s9;
	s6 =	sadd.s32 @!p0 $0x88, s6;
	s7 =	simm.s32 @p2 $0x1082  }
0x22: {  	[simem:s7], [sflag:s8] =	dma.local @!p0 [hbm:s6], $0xF7A  }
0x23: {  	s9 =	sor.u32 $0xD0000000, s2;
	s6 =	simm.s32 $0x108;
	_ =	swait.ge @!p0 [sflag:s8], $0x0  }
0x24: {  	s3 =	sadd.s32 $0x88, s3;
	s6 =	simm.s32 @!p1 $0x1082;
	[sflag:s4] =	ssyncset.s32 $0xFFFFF086  }
0x25: {  	[simem:s6], [sflag:s4] =	dma.local [hbm:s3], $0xF7A  }
0x26: {  	[smem:$0x3F9F] =	sst s1;
	(tag) =	ssettag s2;
	_ =	strace s9  }
0x27: {  	s1 =	sld [smem:$0x3FAF]  }
0x28: {  	s2 =	sld [smem:$0x3FB0]  }
0x29: {  	s4 =	sld [smem:$0x3FB2]  }
0x2a: {  	p0 =	seq.s32 s5, $0x0;
	s5 =	sld [smem:$0x3FB3]  }
0x2b: {  	s6 =	sld [smem:$0x3FB4]  }
0x2c: {  	s7 =	sld [smem:$0x3FB5]  }
0x2d: {  	s3 =	simm.s32 $0x108;
	s8 =	sld [smem:$0x3FB6]  }
0x2e: {  	s3 =	simm.s32 @!p0 $0x1082;
	s9 =	sld [smem:$0x3FB7]  }
0x2f: {  	lr =	sadd.s32 s0, s3;
	s0 =	sld [smem:$0x3FAE]  }
0x30: {  	s3 =	sld [smem:$0x3FB1]  }
0x31: {  	[smem:$0x3FBA] =	sst s10  }
0x32: {  	s10 =	sld [smem:$0x3FB8];
	_ =	sdelay $0x3  }
0x33: {  	p0 =	seq.s32 s10, $0x1;
	s10 =	sld [smem:$0x3FBA];
	_ =	sdelay $0x3  }
0x34: {  	[smem:$0x3FBA] =	sst s10  }
0x35: {  	s10 =	sld [smem:$0x3FB9];
	_ =	sdelay $0x3  }
0x36: {  	p1 =	seq.s32 s10, $0x1;
	s10 =	sld [smem:$0x3FBA];
	_ =	sdelay $0x3  }
0x37: {  	[smem:$0x3FBA] =	sst s10  }
0x38: {  	s10 =	sld [smem:$0x3FBB]  }
0x39: {  	_ = 	snop;
	(pc) =	sbr.ind lr, $3  }
0x3a: {  	_ = 	snop  }
0x3b: {  	_ = 	snop  }
0x3c: {  	p2 =	seq.s32 s10, $0x1;
	s10 =	sld [smem:$0x3FBA]  }
0x3d: {  	_ =	shalt  }
0x3e: {  	_ =	shalt  }
0x3f: {  	_ =	shalt  }
0x40: {  	_ =	shalt  }
0x41: {  	_ =	shalt  }
0x42: {  	_ =	shalt  }
0x43: {  	_ =	shalt  }
0x44: {  	_ =	shalt  }
0x45: {  	_ =	shalt  }
0x46: {  	_ =	shalt  }
0x47: {  	_ =	shalt  }
0x48: {  	_ =	shalt  }
0x49: {  	_ =	shalt  }
0x4a: {  	_ =	shalt  }
0x4b: {  	_ =	shalt  }
0x4c: {  	_ =	shalt  }
0x4d: {  	_ =	shalt  }
0x4e: {  	_ =	shalt  }
0x4f: {  	_ =	shalt  }
0x50: {  	_ =	shalt  }
0x51: {  	_ =	shalt  }
0x52: {  	_ =	shalt  }
0x53: {  	_ =	shalt  }
0x54: {  	_ =	shalt  }
0x55: {  	_ =	shalt  }
0x56: {  	_ =	shalt  }
0x57: {  	_ =	shalt  }
0x58: {  	_ =	shalt  }
0x59: {  	_ =	shalt  }
0x5a: {  	_ =	shalt  }
0x5b: {  	_ =	shalt  }
0x5c: {  	_ =	shalt  }
0x5d: {  	_ =	shalt  }
0x5e: {  	_ =	shalt  }
0x5f: {  	_ =	shalt  }
0x60: {  	_ =	shalt  }
0x61: {  	_ =	shalt  }
0x62: {  	_ =	shalt  }
0x63: {  	_ =	shalt  }
0x64: {  	_ =	shalt  }
0x65: {  	_ =	shalt  }
0x66: {  	_ =	shalt  }
0x67: {  	_ =	shalt  }
0x68: {  	_ =	shalt  }
0x69: {  	_ =	shalt  }
0x6a: {  	_ =	shalt  }
0x6b: {  	_ =	shalt  }
0x6c: {  	_ =	shalt  }
0x6d: {  	_ =	shalt  }
0x6e: {  	_ =	shalt  }
0x6f: {  	_ =	shalt  }
0x70: {  	_ =	shalt  }
0x71: {  	_ =	shalt  }
0x72: {  	_ =	shalt  }
0x73: {  	_ =	shalt  }
0x74: {  	_ =	shalt  }
0x75: {  	_ =	shalt  }
0x76: {  	_ =	shalt  }
0x77: {  	_ =	shalt  }
0x78: {  	_ =	shalt  }
0x79: {  	_ =	shalt  }
0x7a: {  	_ =	shalt  }
0x7b: {  	_ =	shalt  }
0x7c: {  	_ =	shalt  }
0x7d: {  	_ =	shalt  }
0x7e: {  	_ =	shalt  }
0x7f: {  	_ =	shalt  }
0x80: {  	_ =	shalt  }
0x81: {  	_ =	shalt  }
0x82: {  	_ =	shalt  }
0x83: {  	_ =	shalt  }
0x84: {  	_ =	shalt  }
0x85: {  	_ =	shalt  }
0x86: {  	_ =	shalt  }
0x87: {  	_ =	shalt  }
.Lfunc_end0:
.L_simem_size_0:
called_computation.1_lowered:
.L_overlay_start_0:
0x88: {  	s2 =	sld [smem:$0x3FD9]  }
0x89: {  	s3 =	sld [smem:$0x3FFE];
	_ =	sdelay $0x1  }
0x8a: {  	s1 =	srdreg.scid  }
0x8b: {  	s0 =	sand.u32 $0x1, s1  }
0x8c: {  	s17 =	sshll.u32 s0, $0xA;
	s2 =	sadd.s32 s3, s2  }
0x8d: {  	s2 =	sadd.s32 s2, s17  }
0x8e: {  	[smem:$0x3FC6] =	sst s2  }
0x8f: {  	_ = 	snop  }
0x90: {  	s2 =	sld [smem:$0x3FC9];
	(tm) =	ssettm $0x1  }
0x91: {  	s18 =	sld [smem:$0x3FFB];
	_ =	sdelay $0x3  }
0x92: {  	_ =	strace s18  }
0x93: {  	s3 =	sld [smem:$0x3FFC];
	_ =	sdelay $0x3  }
0x94: {  	_ =	strace s3  }
0x95: {  	s3 =	sld [smem:$0x3FFD];
	_ =	sdelay $0x3  }
0x96: {  	_ =	strace s3  }
0x97: {  	_ =	strace $0x8FFFFFFF  }
0x98: {  	s19 =	sld [smem:$0x3FDB];
	_ =	sdelay $0x1  }
0x99: {  	s4 =	simm.s32 $_scs_section_size  }
0x9a: {  	s5 =	simm.s32 $_size__tile_overlayer_lowered;
	s6 =	simm.s32 $_tile_overlayer_lowered  }
0x9b: {  	s22 =	simm.s32 $0x1BFF;
	s21 =	sshll.u32 s6, $0x1;
	s3 =	sadd.s32 s4, s19  }
0x9c: {  	s7 =	simm.s32 $0x0;
	s20 =	sshll.u32 s5, $0x1;
	s5 =	sadd.s32 s21, s3  }
0x9d: {  	[timem:s7], [sflag:s22] =	dma.local [hbm:s5], s20  }
0x9e: {  	_ =	swait.ge [sflag:s22], s20  }
0x9f: {  	s4 =	ssub.s32 $0x0, s20;
	[sflag:s22] =	ssyncset.done $0x0  }
0xa0: {  	[sflag:s22] =	ssyncadd.s32 s4;
	_ =	sdelay $0x1  }
0xa1: {  	s23 =	simm.s32 $0x1B8B  }
0xa2: {  	_ =	swait.ge [sflag:s23], $0x1  }
0xa3: {  	[sflag:s23] =	ssyncset.done $0x0  }
0xa4: {  	s25 =	simm.s32 $0x1B8E;
	s24 =	sld [smem:$0x3FFE];
	[sflag:s23] =	ssyncadd.s32 $0xFFFFFFFF  }
0xa5: {  	s26 =	simm.s32 $execute0_lowered;
	[smem:$0x3FD2] =	sst s25  }
0xa6: {  	s5 =	sshll.u32 s26, $0x1;
	_ =	strace $0x80000046;
	[dreg:$0x1] =	wrdreg $0xFFFFFFFF  }
0xa7: {  	s28 =	simm.s32 $_size_execute0_lowered;
	s3 =	sadd.s32 s3, s5;
	[dreg:$0x0] =	wrdreg $0x0  }
0xa8: {  	s5 =	sshll.u32 s28, $0x1;
	[dreg:$0x2] =	wrdreg s3  }
0xa9: {  	[dreg:$0x3] =	wrdreg s5  }
0xaa: {  	[dreg:$0x4] =	wrdreg $0xC0  }
0xab: {  	_ =	task [dreg:s7], $0x5FFFF  }
0xac: {  	[dreg:$0x1] =	wrdreg $0xFFFFFFFF  }
0xad: {  	[dreg:$0x0] =	wrdreg $0x60  }
0xae: {  	[dreg:$0x2] =	wrdreg s24  }
0xaf: {  	[dreg:$0x3] =	wrdreg s2  }
0xb0: {  	[dreg:$0x4] =	wrdreg $0x9  }
0xb1: {  	_ =	task.clear_ibuf [dreg:s7], $0x5FFFF;
	_ =	strace $0x90000046  }
0xb2: {  	s29 =	simm.s32 $0x9;
	_ =	strace $0x80000048  }
0xb3: {  	_ =	swait.ge [sflag:s29], $0x1  }
0xb4: {  	[sflag:s29] =	ssyncadd.s32 $0xFFFFFFFF  }
0xb5: {  	_ =	strace $0x90000048  }
0xb6: {  	_ =	sfence  }
0xb7: {  	s30 =	sld [smem:$0x0];
	_ =	sdelay $0x2  }
0xb8: {  	s31 =	sshll.u32 s1, $0xD;
	s1 =	sshrl.u32 s1, $0x2  }
0xb9: {  	s3 =	sand.u32 $0x4000, s31;
	s1 =	sadd.s32 s1, s30  }
0xba: {  	s0 =	sor.u32 s3, s0;
	s1 =	sshll.u32 s1, $0x11  }
0xbb: {  	s0 =	sor.u32 s1, s0  }
0xbc: {  	s0 =	sadd.s32 $0x8F2B, s0  }
0xbd: {  	[sflag:s0] =	ssyncadd.remote.s32 $0x1  }
0xbe: {  	_ =	sfence.sel $0xFFFF  }
0xbf: {  	[dreg:$0x0] =	wrdreg $0xFFFFFFFF;
	(pc) =	sbr.abs _section_cstart, $3  }
0xc0: {  	[dreg:$0x1] =	wrdreg $0xFFFFFFFF  }
0xc1: {  	_ =	task.clear_ibuf [dreg:s7], $0x2FFFF;
	_ =	strace $0x9FFFFFFF  }
0xc2: {  	(tm) =	ssettm $0x7FFFFFFF  }
0xc3: {  	_ =	shalt  }
tec
execute0_lowered:
.L_overlay_start_1:
0x0: {  	(tag) =	ssettag $0x1  }
0x1: {  	s0 =	rddreg [dreg:$0x0]  }
0x2: {  	s1 =	rddreg [dreg:$0x1];
	s2 =	simm.s32 $0x0;
	s4 =	srdreg.scid  }
0x3: {  	s17 =	stileid.u32;
	s15 =	simm.s32 $0x2;
	s16 =	simm.s32 $0x80  }
0x4: {  	s30 =	simm.s32 $0x0;
	[smem:$0x7FF] =	sst s2;
	s3 =	sadd.s32 $0xF42C00, s0  }
0x5: {  	s11 =	sand.u32 $0x1, s4;
	s6 =	sshll.u32 s17, $0x1;
	s4 =	sadd.s32 $0x800, s0  }
0x6: {  	s13 =	sshll.u32 s17, $0x8;
	p0 =	sgt.u32 s17, $0x3;
	_ =	strace $0x80000047  }
0x7: {  	s23 =	ssub.s32 $0x2, s11;
	s5 =	sor.u32 s11, s6;
	s9 =	sand.u32 $0xC00, s13  }
0x8: {  	s6 =	ssub.s32 $0xC8, s6;
	s29 =	sshll.u32 s11, $0x7;
	s7 =	sshrl.u32 s23, $0x1  }
0x9: {  	s8 =	sshll.u32 s5, $0x7;
	s9 =	sadd.s32 s1, s9;
	[dreg:$0x8] =	wrdreg s6  }
0xa: {  	s24 =	sand.u32 $0x7, s5;
	s25 =	sshll.u32 s5, $0xE;
	s26 =	sshll.u32 s5, $0xB  }
0xb: {  	s31 =	sadd.s32 $0x1C, s5;
	s8 =	sand.u32 $0x380, s8;
	s0 =	ssub.s32 s23, s7  }
0xc: {  	[dreg:$0x6] =	wrdreg s24;
	s28 =	sand.u32 $0x1C000, s25;
	s14 =	sadd.s32 s26, s4  }
0xd: {  	[dreg:$0x3] =	wrdreg s31;
	s1 =	sadd.s32 s1, s8;
	s6 =	sadd.s32 s8, s9  }
0xe: {  	[dreg:$0x7] =	wrdreg s28;
	s7 =	sadd.s32 $0x304000, s14;
	s8 =	sadd.s32 $0x308000, s14  }
0xf: {  	s9 =	sadd.s32 $0x30C000, s14;
	s10 =	sadd.s32 $0x310000, s14;
	s11 =	sadd.s32 $0x314000, s14  }
0x10: {  	s12 =	sadd.s32 $0x318000, s14;
	[dreg:$0x5] =	wrdreg s1;
	s1 =	sor.u32 s29, s13  }
0x11: {  	s13 =	sadd.s32 $0x31C000, s14;
	s14 =	smax.u32 s0, $0x1;
	[dreg:$0x4] =	wrdreg s1  }
.LBB2_1:
0x12: {  	[tilespmem:s2], [sflag:$0x2] =	stream.linear.gather [hbm4b:s6+s2], $0x400, $0x38;
	[tilespmem:$0x1C800] =	vst v63  }
0x13: {  	_ =	swait.ge [sflag:s15], $0x400  }
0x14: {  	[sflag:s15] =	ssyncset.done $0x0  }
0x15: {  	s0 =	simm.s32 $0x800;
	[sflag:s15] =	ssyncadd.s32 $0xFFFFFC00  }
0x16: {  	[tilespmem:s0], [sflag:$0x1] =	stream.indirect.gather [hbm4b:s3+s16], $0x80, s2, s16, $0xb8;
	[tilespmem:$0x1C800] =	vst v63  }
0x17: {  	s18 =	simm.s32 $0x4800  }
0x18: {  	[tilespmem:s18], [sflag:$0x1] =	stream.indirect.gather [hbm4b:s3+s16], $0x80, s16, s16, $0xb8;
	[tilespmem:$0x1C800] =	vst v63  }
0x19: {  	s19 =	simm.s32 $0x100;
	s1 =	simm.s32 $0x8800;
	s20 =	simm.s32 $0x180  }
0x1a: {  	[tilespmem:s1], [sflag:$0x1] =	stream.indirect.gather [hbm4b:s3+s16], $0x80, s19, s16, $0xb8;
	[tilespmem:$0x1C800] =	vst v63  }
0x1b: {  	s21 =	simm.s32 $0xC800;
	s22 =	simm.s32 $0x200;
	s1 =	simm.s32 $0x7  }
0x1c: {  	s23 =	simm.s32 $0x10800;
	s17 =	rddreg [dreg:$0x3];
	s0 =	sand.u32 $0x7, s1  }
0x1d: {  	[tilespmem:s21], [sflag:$0x1] =	stream.indirect.gather [hbm4b:s3+s16], $0x80, s20, s16, $0xb8;
	[tilespmem:$0x1C800] =	vst v63  }
0x1e: {  	s24 =	simm.s32 $0x280;
	s17 =	sadd.s32 $0x0, s17;
	p1 =	sne.s32 s0, $0x0  }
0x1f: {  	s25 =	simm.s32 $0x14800;
	s26 =	simm.s32 $0x300;
	p2 =	sgt.u32 @!p1 s17, $0xC7  }
0x20: {  	[tilespmem:s23], [sflag:$0x1] =	stream.indirect.gather [hbm4b:s3+s16], $0x80, s22, s16, $0xb8;
	[tilespmem:$0x1C800] =	vst v63  }
0x21: {  	s28 =	simm.s32 $0x18800;
	s18 =	rddreg [dreg:$0x4];
	p1 =	por p2, p1  }
0x22: {  	s19 =	simm.s32 $0xE00;
	s20 =	sand.u32 $0xE0, s2;
	s18 =	sadd.s32 @!p1 $0xE00, s18  }
0x23: {  	[tilespmem:s25], [sflag:$0x1] =	stream.indirect.gather [hbm4b:s3+s16], $0x80, s24, s16, $0xb8;
	[tilespmem:$0x1C800] =	vst v63  }
0x24: {  	s17 =	rddreg [dreg:$0x5];
	s19 =	sand.u32 @!p1 $0x1000, s19;
	s18 =	sand.u32 @!p1 $0x7C00, s18  }
0x25: {  	s22 =	simm.s32 @!p1 $0x0;
	s17 =	sadd.s32 @!p1 s18, s17;
	s18 =	sor.u32 s5, s20  }
0x26: {  	[tilespmem:s28], [sflag:$0x1] =	stream.indirect.gather [hbm4b:s3+s16], $0x80, s26, s16, $0xb8;
	[tilespmem:$0x1C800] =	vst v63  }
0x27: {  	s19 =	sshrl.u32 @!p1 s19, $0x2;
	s20 =	simm.s32 $0x0;
	p2 =	sgt.u32 s18, $0xC7  }
0x28: {  	[tilespmem:s19], [sflag:$0x2] =	stream.linear.gather @!p1 [hbm4b:s17+s22], $0x400, $0x38;
	[tilespmem:$0x1C800] =	vst v63  }
0x29: {  	s17 =	smul.u32 @!p2 $0x25, s20  }
0x2a: {  	s21 =	simm.s32 @!p1 $0x2  }
0x2b: {  	p3 =	seq.s32 @!p2 s18, $0x0;
	_ =	swait.ge @!p1 [sflag:s21], $0x400;
	s17 =	sshrl.u32 @!p2 s17, $0x8  }
0x2c: {  	s19 =	rddreg [dreg:$0x6];
	[sflag:s21] =	ssyncset.done @!p1 $0x0;
	s20 =	ssub.s32 @!p2 $0x0, s17  }
0x2d: {  	[sflag:s21] =	ssyncadd.s32 @!p1 $0xFFFFFC00;
	p1 =	sne.s32 @!p2 s19, $0x0;
	s19 =	sand.u32 @!p2 $0xFE, s20  }
0x2e: {  	p1 =	por @!p2 !p1, !p3;
	s19 =	sshrl.u32 @!p2 s19, $0x1  }
0x2f: {  	s18 =	sshrl.u32 @!p2 s18, $0x3;
	p1 =	por @!p2 !p1, !p1;
	s17 =	sadd.s32 @!p2 s17, s19  }
0x30: {  	p1 =	por !p1, p2;
	s19 =	simm.s32 @!p2 $0x1;
	s17 =	sand.u32 @!p2 $0xFC, s17  }
0x31: {  	s22 =	simm.s32 @!p2 $0x2;
	s19 =	simm.s32 @p1 $0x0;
	s17 =	sshrl.u32 @!p2 s17, $0x2  }
0x32: {  	s20 =	simm.s32 @!p2 $0x1;
	s18 =	ssub.s32 @!p2 s18, s19;
	s17 =	smul.u32 @!p2 $0x7, s17  }
0x33: {  	_ =	swait.ge @!p2 [sflag:s20], $0x4000;
	s19 =	sand.u32 @!p2 $0xE0000, s2;
	s18 =	sshll.u32 @!p2 s18, $0x14  }
0x34: {  	s21 =	rddreg [dreg:$0x7];
	s18 =	sor.u32 @!p2 s19, s18;
	s17 =	ssub.s32 @!p2 $0x0, s17  }
0x35: {  	[sflag:s20] =	ssyncset.done @!p2 $0x0;
	s18 =	sor.u32 @!p2 s21, s18;
	s17 =	sand.u32 @!p2 $0xFF, s17  }
0x36: {  	[sflag:s20] =	ssyncadd.s32 @!p2 $0xFFFFC000;
	s18 =	sshrl.u32 @!p2 s18, $0x3;
	s17 =	sshll.u32 @!p2 s17, $0xE  }
0x37: {  	s19 =	simm.s32 @!p2 $0x0;
	s18 =	sadd.s32 @!p2 s4, s18;
	s17 =	sor.u32 @!p2 $0x800, s17  }
0x38: {  	[hbm4b:s18+s19] =	stream.linear.scatter @!p2 [tilespmem:s17], [sflag:$0x2], $0x4000, $0x38;
	[tilespmem:$0x1C800] =	vst v63  }
0x39: {  	_ =	swait.ge @!p2 [sflag:s22], $0x4000  }
0x3a: {  	s29 =	rddreg [dreg:$0x8]  }
0x3b: {  	p1 =	sle.u32 s29, $0x0  }
0x3c: {  	s1 =	smul.u32 @!p1 $0x25, s1;
	_ =	sdelay $0x1  }
0x3d: {  	s1 =	sshrl.u32 @!p1 s1, $0x8  }
0x3e: {  	s31 =	simm.s32 $0x8;
	s19 =	simm.s32 $0x1000;
	s18 =	ssub.s32 @!p1 $0x7, s1  }
0x3f: {  	s17 =	simm.s32 $0x1200;
	s21 =	rddreg [dreg:$0x5];
	s18 =	sand.u32 @!p1 $0xFE, s18  }
0x40: {  	[sflag:s22] =	ssyncset.done @!p2 $0x0;
	s24 =	rddreg [dreg:$0x3];
	s18 =	sshrl.u32 @!p1 s18, $0x1  }
0x41: {  	[sflag:s22] =	ssyncadd.s32 @!p2 $0xFFFFC000;
	s20 =	simm.s32 @!p1 $0x0;
	s1 =	sadd.s32 @!p1 s1, s18  }
0x42: {  	s0 =	sshll.u32 @!p1 s0, $0x7;
	s20 =	sand.u32 @!p1 $0x400, s20;
	s1 =	sand.u32 @!p1 $0xFC, s1  }
0x43: {  	s23 =	sor.u32 @!p1 s0, s20;
	s0 =	sand.u32 $0x7, s31;
	s1 =	sshrl.u32 @!p1 s1, $0x2  }
0x44: {  	s20 =	sadd.s32 $0x4, s24;
	p2 =	sne.s32 s0, $0x0;
	s1 =	smul.u32 @!p1 $0x7, s1  }
0x45: {  	s25 =	rddreg [dreg:$0x4];
	s22 =	simm.s32 @!p1 $0x80;
	p3 =	sgt.u32 @!p2 s20, $0xC7  }
0x46: {  	p3 =	por p3, p2;
	s18 =	simm.s32 $0x4;
	s20 =	ssub.s32 @!p1 $0x7, s1  }
0x47: {  	s24 =	sand.u32 $0xE0, s18;
	s1 =	simm.s32 $0x20000;
	s20 =	sand.u32 @!p1 $0xFF, s20  }
.LBB2_2:
0x48: {  	s25 =	sadd.s32 @!p3 s19, s25;
	s28 =	sshll.u32 @!p1 s20, $0xE  }
0x49: {  	s19 =	sand.u32 @!p3 $0x1000, s19;
	s24 =	sor.u32 s5, s24;
	s25 =	sand.u32 @!p3 $0x7C00, s25  }
0x4a: {  	s28 =	sor.u32 @!p1 $0x800, s28;
	s19 =	sshrl.u32 @!p3 s19, $0x2;
	s21 =	sadd.s32 @!p3 s25, s21  }
0x4b: {  	[tilespmem:s28], [sflag:$0x1] =	stream.indirect.gather @!p1 [hbm4b:s3+s22], $0x80, s23, s22, $0xb8;
	[tilespmem:$0x1C800] =	vst v63  }
0x4c: {  	s22 =	sadd.s32 $0xFFFFFFF9, s31;
	s23 =	simm.s32 @!p3 $0x0;
	p1 =	sgt.u32 s24, $0xC7  }
0x4d: {  	[tilespmem:s19], [sflag:$0x2] =	stream.linear.gather @!p3 [hbm4b:s21+s23], $0x400, $0x38;
	[tilespmem:$0x1C800] =	vst v63  }
0x4e: {  	s19 =	smul.u32 @!p1 $0x25, s22  }
0x4f: {  	s26 =	simm.s32 @!p3 $0x2;
	p4 =	seq.s32 @!p1 s24, $0x0  }
0x50: {  	s23 =	sshrl.u32 @!p1 s24, $0x3;
	_ =	swait.ge @!p3 [sflag:s26], $0x400;
	s24 =	sshrl.u32 @!p1 s19, $0x8  }
0x51: {  	[sflag:s26] =	ssyncset.done @!p3 $0x0;
	s21 =	rddreg [dreg:$0x6];
	s25 =	ssub.s32 @!p1 s22, s24  }
0x52: {  	[sflag:s26] =	ssyncadd.s32 @!p3 $0xFFFFFC00;
	p3 =	sne.s32 @!p1 s21, $0x0;
	s21 =	sand.u32 @!p1 $0xFE, s25  }
0x53: {  	p3 =	por @!p1 !p3, !p4;
	s21 =	sshrl.u32 @!p1 s21, $0x1  }
0x54: {  	p3 =	por @!p1 !p3, !p3;
	s21 =	sadd.s32 @!p1 s24, s21  }
0x55: {  	p3 =	por !p3, p1;
	s24 =	simm.s32 @!p1 $0x1;
	s21 =	sand.u32 @!p1 $0xFC, s21  }
0x56: {  	s25 =	simm.s32 @!p1 $0x1;
	s24 =	simm.s32 @p3 $0x0;
	s21 =	sshrl.u32 @!p1 s21, $0x2  }
0x57: {  	_ =	swait.ge @!p1 [sflag:s25], $0x4000;
	s23 =	ssub.s32 @!p1 s23, s24;
	s21 =	smul.u32 @!p1 $0x7, s21  }
0x58: {  	s26 =	rddreg [dreg:$0x7];
	s24 =	sand.u32 @!p1 $0xE0000, s1;
	s23 =	sshll.u32 @!p1 s23, $0x14  }
0x59: {  	[sflag:s25] =	ssyncset.done @!p1 $0x0;
	s23 =	sor.u32 @!p1 s24, s23;
	s21 =	ssub.s32 @!p1 s22, s21  }
0x5a: {  	[sflag:s25] =	ssyncadd.s32 @!p1 $0xFFFFC000;
	s23 =	sor.u32 @!p1 s26, s23;
	s21 =	sand.u32 @!p1 $0xFF, s21  }
0x5b: {  	s24 =	simm.s32 @!p1 $0x0;
	s23 =	sshrl.u32 @!p1 s23, $0x3;
	s21 =	sshll.u32 @!p1 s21, $0xE  }
0x5c: {  	s22 =	simm.s32 @!p1 $0x2;
	s23 =	sadd.s32 @!p1 s4, s23;
	s21 =	sor.u32 @!p1 $0x800, s21  }
0x5d: {  	[hbm4b:s23+s24] =	stream.linear.scatter @!p1 [tilespmem:s21], [sflag:$0x2], $0x4000, $0x38;
	[tilespmem:$0x1C800] =	vst v63  }
0x5e: {  	_ =	swait.ge @!p1 [sflag:s22], $0x4000  }
0x5f: {  	[sflag:s22] =	ssyncset.done @!p1 $0x0  }
0x60: {  	[sflag:s22] =	ssyncadd.s32 @!p1 $0xFFFFC000;
	s22 =	sshrl.u32 s31, $0x3  }
0x61: {  	s26 =	rddreg [dreg:$0x8];
	s28 =	sshll.u32 s22, $0x5  }
0x62: {  	p1 =	sge.u32 s28, s26  }
0x63: {  	s23 =	smul.u32 @!p1 $0x25, s31  }
0x64: {  	s24 =	sshll.u32 @!p1 s22, $0xA  }
0x65: {  	s0 =	sshll.u32 @!p1 s0, $0x7;
	s24 =	sand.u32 @!p1 $0x400, s24;
	s25 =	sshrl.u32 @!p1 s23, $0x8  }
0x66: {  	s23 =	sor.u32 @!p1 s0, s24;
	s0 =	ssub.s32 @!p1 s31, s25  }
0x67: {  	s29 =	smov.u32 s17;
	s20 =	smov.u32 s31;
	s0 =	sand.u32 @!p1 $0xFE, s0  }
0x68: {  	s17 =	sadd.s32 $0x200, s17;
	s18 =	sadd.s32 $0x4, s18;
	s0 =	sshrl.u32 @!p1 s0, $0x1  }
0x69: {  	p2 =	sne.s32 s17, $0x7000;
	s19 =	smov.u32 s29;
	s0 =	sadd.s32 @!p1 s25, s0  }
0x6a: {  	s1 =	sadd.s32 $0x20000, s1;
	s21 =	rddreg [dreg:$0x5];
	s0 =	sand.u32 @!p1 $0xFC, s0  }
.Ltmp0:
0x6b: {  	s31 =	sadd.s32 $0x1, s31;
	s25 =	sshrl.u32 @!p1 s0, $0x2;
	(pc) =	sbr.rel @p2 .LBB2_2-.Ltmp0, $4  }
0x6c: {  	s29 =	rddreg [dreg:$0x3];
	s0 =	sand.u32 $0x7, s31;
	s26 =	smul.u32 @!p1 $0x7, s25  }
0x6d: {  	s22 =	simm.s32 @!p1 $0x80;
	s24 =	sadd.s32 s18, s29;
	p3 =	sne.s32 s0, $0x0  }
0x6e: {  	s25 =	rddreg [dreg:$0x4];
	p4 =	sgt.u32 @!p3 s24, $0xC7;
	s20 =	ssub.s32 @!p1 s20, s26  }
0x6f: {  	s24 =	sand.u32 $0xE0, s18;
	p3 =	por p4, p3;
	s20 =	sand.u32 @!p1 $0xFF, s20  }
0x70: {  	s17 =	sadd.s32 @!p3 s19, s25;
	s20 =	sshll.u32 @!p1 s20, $0xE  }
0x71: {  	s19 =	sand.u32 @!p3 $0x1000, s19;
	s17 =	sand.u32 @!p3 $0x7C00, s17;
	s20 =	sor.u32 @!p1 $0x800, s20  }
0x72: {  	s19 =	sshrl.u32 @!p3 s19, $0x2;
	s17 =	sadd.s32 @!p3 s17, s21;
	s21 =	sor.u32 s5, s24  }
0x73: {  	[tilespmem:s20], [sflag:$0x1] =	stream.indirect.gather @!p1 [hbm4b:s3+s22], $0x80, s23, s22, $0xb8;
	[tilespmem:$0x1C800] =	vst v63  }
0x74: {  	s20 =	sadd.s32 $0xFFFFFFF9, s31;
	s22 =	simm.s32 @!p3 $0x0;
	p1 =	sgt.u32 s21, $0xC7  }
0x75: {  	[tilespmem:s19], [sflag:$0x2] =	stream.linear.gather @!p3 [hbm4b:s17+s22], $0x400, $0x38;
	[tilespmem:$0x1C800] =	vst v63  }
0x76: {  	s17 =	smul.u32 @!p1 $0x25, s20  }
0x77: {  	s18 =	simm.s32 @!p3 $0x2  }
0x78: {  	p2 =	seq.s32 @!p1 s21, $0x0;
	_ =	swait.ge @!p3 [sflag:s18], $0x400;
	s17 =	sshrl.u32 @!p1 s17, $0x8  }
0x79: {  	s19 =	rddreg [dreg:$0x6];
	[sflag:s18] =	ssyncset.done @!p3 $0x0;
	s22 =	ssub.s32 @!p1 s20, s17  }
0x7a: {  	[sflag:s18] =	ssyncadd.s32 @!p3 $0xFFFFFC00;
	p3 =	sne.s32 @!p1 s19, $0x0;
	s18 =	sand.u32 @!p1 $0xFE, s22  }
0x7b: {  	p2 =	por @!p1 !p3, !p2;
	s18 =	sshrl.u32 @!p1 s18, $0x1  }
0x7c: {  	s19 =	sshrl.u32 @!p1 s21, $0x3;
	p2 =	por @!p1 !p2, !p2;
	s17 =	sadd.s32 @!p1 s17, s18  }
0x7d: {  	p2 =	por !p2, p1;
	s18 =	simm.s32 @!p1 $0x1;
	s17 =	sand.u32 @!p1 $0xFC, s17  }
0x7e: {  	s21 =	simm.s32 @!p1 $0x1;
	s18 =	simm.s32 @p2 $0x0;
	s17 =	sshrl.u32 @!p1 s17, $0x2  }
0x7f: {  	_ =	swait.ge @!p1 [sflag:s21], $0x4000;
	s18 =	ssub.s32 @!p1 s19, s18;
	s17 =	smul.u32 @!p1 $0x7, s17  }
0x80: {  	s1 =	sand.u32 @!p1 $0xE0000, s1;
	s22 =	rddreg [dreg:$0x7];
	s18 =	sshll.u32 @!p1 s18, $0x14  }
0x81: {  	[sflag:s21] =	ssyncset.done @!p1 $0x0;
	s1 =	sor.u32 @!p1 s1, s18;
	s17 =	ssub.s32 @!p1 s20, s17  }
0x82: {  	[sflag:s21] =	ssyncadd.s32 @!p1 $0xFFFFC000;
	s1 =	sor.u32 @!p1 s22, s1;
	s17 =	sand.u32 @!p1 $0xFF, s17  }
0x83: {  	s19 =	simm.s32 @!p1 $0x0;
	s1 =	sshrl.u32 @!p1 s1, $0x3;
	s17 =	sshll.u32 @!p1 s17, $0xE  }
0x84: {  	s18 =	simm.s32 @!p1 $0x2;
	s1 =	sadd.s32 @!p1 s4, s1;
	s17 =	sor.u32 @!p1 $0x800, s17  }
0x85: {  	[hbm4b:s1+s19] =	stream.linear.scatter @!p1 [tilespmem:s17], [sflag:$0x2], $0x4000, $0x38;
	[tilespmem:$0x1C800] =	vst v63  }
0x86: {  	s17 =	sshrl.u32 s31, $0x3;
	_ =	swait.ge @!p1 [sflag:s18], $0x4000  }
0x87: {  	s29 =	sshll.u32 s17, $0x5;
	s28 =	rddreg [dreg:$0x8]  }
0x88: {  	p2 =	sge.u32 s29, s28  }
0x89: {  	s1 =	smul.u32 @!p2 $0x25, s31;
	_ =	sdelay $0x1  }
0x8a: {  	s1 =	sshrl.u32 @!p2 s1, $0x8  }
0x8b: {  	s19 =	ssub.s32 @!p2 s31, s1  }
0x8c: {  	s19 =	sand.u32 @!p2 $0xFE, s19  }
0x8d: {  	s19 =	sshrl.u32 @!p2 s19, $0x1  }
0x8e: {  	s1 =	sadd.s32 @!p2 s1, s19  }
0x8f: {  	s1 =	sand.u32 @!p2 $0xFC, s1  }
0x90: {  	s1 =	sshrl.u32 @!p2 s1, $0x2  }
0x91: {  	s1 =	smul.u32 @!p2 $0x7, s1;
	_ =	sdelay $0x1  }
0x92: {  	[sflag:s18] =	ssyncset.done @!p1 $0x0;
	s1 =	ssub.s32 @!p2 s31, s1  }
0x93: {  	[sflag:s18] =	ssyncadd.s32 @!p1 $0xFFFFC000;
	s17 =	sshll.u32 @!p2 s17, $0xA;
	s1 =	sand.u32 @!p2 $0xFF, s1  }
0x94: {  	s0 =	sshll.u32 @!p2 s0, $0x7;
	s17 =	sand.u32 @!p2 $0x400, s17;
	s1 =	sshll.u32 @!p2 s1, $0xE  }
0x95: {  	s18 =	simm.s32 @!p2 $0x80;
	s0 =	sor.u32 @!p2 s0, s17;
	s1 =	sor.u32 @!p2 $0x800, s1  }
0x96: {  	[tilespmem:s1], [sflag:$0x1] =	stream.indirect.gather @!p2 [hbm4b:s3+s18], $0x80, s0, s18, $0xb8;
	[tilespmem:$0x1C800] =	vst v63  }
0x97: {  	s0 =	simm.s32 @!p0 $0x1  }
0x98: {  	_ =	swait.ge @!p0 [sflag:s0], $0x4000  }
0x99: {  	[sflag:s0] =	ssyncset.done @!p0 $0x0  }
0x9a: {  	s17 =	simm.s32 @!p0 $0x800;
	s1 =	simm.s32 @!p0 $0x0;
	[sflag:s0] =	ssyncadd.s32 @!p0 $0xFFFFC000  }
0x9b: {  	[hbm4b:s7+s1] =	stream.linear.scatter @!p0 [tilespmem:s17], [sflag:$0x2], $0x4000, $0x38;
	[tilespmem:$0x1C800] =	vst v63  }
0x9c: {  	s17 =	simm.s32 @!p0 $0x2  }
0x9d: {  	_ =	swait.ge @!p0 [sflag:s17], $0x4000  }
0x9e: {  	[sflag:s17] =	ssyncset.done @!p0 $0x0  }
0x9f: {  	[sflag:s17] =	ssyncadd.s32 @!p0 $0xFFFFC000  }
0xa0: {  	_ =	swait.ge @!p0 [sflag:s0], $0x4000  }
0xa1: {  	[sflag:s0] =	ssyncset.done @!p0 $0x0  }
0xa2: {  	s18 =	simm.s32 @!p0 $0x4800;
	[sflag:s0] =	ssyncadd.s32 @!p0 $0xFFFFC000  }
0xa3: {  	[hbm4b:s8+s1] =	stream.linear.scatter @!p0 [tilespmem:s18], [sflag:$0x2], $0x4000, $0x38;
	[tilespmem:$0x1C800] =	vst v63  }
0xa4: {  	_ =	swait.ge @!p0 [sflag:s17], $0x4000  }
0xa5: {  	[sflag:s17] =	ssyncset.done @!p0 $0x0  }
0xa6: {  	[sflag:s17] =	ssyncadd.s32 @!p0 $0xFFFFC000  }
0xa7: {  	_ =	swait.ge @!p0 [sflag:s0], $0x4000  }
0xa8: {  	[sflag:s0] =	ssyncset.done @!p0 $0x0  }
0xa9: {  	s18 =	simm.s32 @!p0 $0x8800;
	[sflag:s0] =	ssyncadd.s32 @!p0 $0xFFFFC000  }
0xaa: {  	[hbm4b:s9+s1] =	stream.linear.scatter @!p0 [tilespmem:s18], [sflag:$0x2], $0x4000, $0x38;
	[tilespmem:$0x1C800] =	vst v63  }
0xab: {  	_ =	swait.ge @!p0 [sflag:s17], $0x4000  }
0xac: {  	[sflag:s17] =	ssyncset.done @!p0 $0x0  }
0xad: {  	[sflag:s17] =	ssyncadd.s32 @!p0 $0xFFFFC000  }
0xae: {  	_ =	swait.ge @!p0 [sflag:s0], $0x4000  }
0xaf: {  	[sflag:s0] =	ssyncset.done @!p0 $0x0  }
0xb0: {  	s18 =	simm.s32 @!p0 $0xC800;
	[sflag:s0] =	ssyncadd.s32 @!p0 $0xFFFFC000  }
0xb1: {  	[hbm4b:s10+s1] =	stream.linear.scatter @!p0 [tilespmem:s18], [sflag:$0x2], $0x4000, $0x38;
	[tilespmem:$0x1C800] =	vst v63  }
0xb2: {  	_ =	swait.ge @!p0 [sflag:s17], $0x4000  }
0xb3: {  	[sflag:s17] =	ssyncset.done @!p0 $0x0  }
0xb4: {  	[sflag:s17] =	ssyncadd.s32 @!p0 $0xFFFFC000  }
0xb5: {  	_ =	swait.ge @!p0 [sflag:s0], $0x4000  }
0xb6: {  	[sflag:s0] =	ssyncset.done @!p0 $0x0  }
0xb7: {  	s18 =	simm.s32 @!p0 $0x10800;
	[sflag:s0] =	ssyncadd.s32 @!p0 $0xFFFFC000  }
0xb8: {  	[hbm4b:s11+s1] =	stream.linear.scatter @!p0 [tilespmem:s18], [sflag:$0x2], $0x4000, $0x38;
	[tilespmem:$0x1C800] =	vst v63  }
0xb9: {  	_ =	swait.ge @!p0 [sflag:s17], $0x4000  }
0xba: {  	[sflag:s17] =	ssyncset.done @!p0 $0x0  }
0xbb: {  	[sflag:s17] =	ssyncadd.s32 @!p0 $0xFFFFC000  }
0xbc: {  	_ =	swait.ge @!p0 [sflag:s0], $0x4000  }
0xbd: {  	[sflag:s0] =	ssyncset.done @!p0 $0x0  }
0xbe: {  	s18 =	simm.s32 @!p0 $0x14800;
	[sflag:s0] =	ssyncadd.s32 @!p0 $0xFFFFC000  }
0xbf: {  	[hbm4b:s12+s1] =	stream.linear.scatter @!p0 [tilespmem:s18], [sflag:$0x2], $0x4000, $0x38;
	[tilespmem:$0x1C800] =	vst v63  }
0xc0: {  	_ =	swait.ge @!p0 [sflag:s17], $0x4000  }
0xc1: {  	[sflag:s17] =	ssyncset.done @!p0 $0x0  }
0xc2: {  	[sflag:s17] =	ssyncadd.s32 @!p0 $0xFFFFC000  }
0xc3: {  	s30 =	sadd.s32 $0x1, s30;
	_ =	swait.ge @!p0 [sflag:s0], $0x4000  }
0xc4: {  	p1 =	sne.s32 s30, s14;
	[sflag:s0] =	ssyncset.done @!p0 $0x0  }
.Ltmp1:
0xc5: {  	[sflag:s0] =	ssyncadd.s32 @!p0 $0xFFFFC000;
	s0 =	simm.s32 @!p0 $0x18800;
	(pc) =	sbr.rel @p1 .LBB2_1-.Ltmp1, $4  }
0xc6: {  	[hbm4b:s13+s1] =	stream.linear.scatter @!p0 [tilespmem:s0], [sflag:$0x2], $0x4000, $0x38;
	[tilespmem:$0x1C800] =	vst v63  }
0xc7: {  	_ =	swait.ge @!p0 [sflag:s17], $0x4000  }
0xc8: {  	[sflag:s17] =	ssyncset.done @!p0 $0x0  }
0xc9: {  	[sflag:s17] =	ssyncadd.s32 @!p0 $0xFFFFC000  }
0xca: {  	_ =	sfence.sel $0x180000  }
0xcb: {  	[bflag:$0x0] =	sbarrier.arrive $0xFFFF  }
0xcc: {  	_ =	strace $0x90000047  }
0xcd: {  	s0 =	stileid.u32;
	[bflag:$0x2] =	sbarrier.arrive $0xFFFF  }
0xce: {  	p0 =	sne.s32 s0, $0x0;
	s0 =	rddreg [dreg:$0x2]  }
0xcf: {  	s0 =	sadd.s32 @!p0 $0x100000, s0  }
0xd0: {  	[sflag:s0] =	ssyncadd.tile.s32 @!p0 $0x1;
	_ =	shalt  }
.Lfunc_end2:
_tile_overlayer_lowered:
.L_overlay_start_2:
0xd1: {  	(tag) =	ssettag $0x2  }
0xd2: {  	s0 =	rddreg [dreg:$0x0];
	s2 =	stileid.u32  }
0xd3: {  	s1 =	rddreg [dreg:$0x1];
	p0 =	sne.s32 s2, $0x0  }
0xd4: {  	s3 =	rddreg [dreg:$0x2];
	[bflag:$0x3] =	sbarrier.arrive $0xFFFF;
	s2 =	simm.s32 @!p0 $0x1C02  }
0xd5: {  	[timem:s3], [sflag:s2] =	dma.local @!p0 [hbm:s0], s1  }
0xd6: {  	s0 =	simm.s32 @!p0 $0x2  }
0xd7: {  	_ =	swait.ge @!p0 [sflag:s0], s1  }
0xd8: {  	s1 =	ssub.s32 @!p0 $0x0, s1;
	[sflag:s0] =	ssyncset.done @!p0 $0x0  }
0xd9: {  	[sflag:s0] =	ssyncadd.s32 @!p0 s1  }
0xda: {  	[bflag:$0x3] =	sbarrier.arrive $0xFFFF  }
0xdb: {  	_ =	shalt  }

// kernel: sparse-core-data-format-call.cloned.1.call-start
scs
called_computation_lowered:
.L_overlay_start_0:
0x0: {  	s2 =	sld [smem:$0x3FD9]  }
0x1: {  	s3 =	sld [smem:$0x3FFE];
	_ =	sdelay $0x1  }
0x2: {  	s1 =	srdreg.scid  }
0x3: {  	s0 =	sand.u32 $0x1, s1  }
0x4: {  	s18 =	sshll.u32 s0, $0xA;
	s2 =	sadd.s32 s3, s2  }
0x5: {  	s2 =	sadd.s32 s2, s18  }
0x6: {  	[smem:$0x3FC6] =	sst s2  }
0x7: {  	_ = 	snop  }
0x8: {  	s2 =	sld [smem:$0x3FD0];
	(tm) =	ssettm $0x1  }
0x9: {  	s19 =	sld [smem:$0x3FFB];
	_ =	sdelay $0x3  }
0xa: {  	_ =	strace s19  }
0xb: {  	s3 =	sld [smem:$0x3FFC];
	_ =	sdelay $0x3  }
0xc: {  	_ =	strace s3  }
0xd: {  	s3 =	sld [smem:$0x3FFD];
	_ =	sdelay $0x3  }
0xe: {  	_ =	strace s3  }
0xf: {  	_ =	strace $0x8FFFFFFF  }
0x10: {  	s20 =	sld [smem:$0x3FDB];
	_ =	sdelay $0x1  }
0x11: {  	s4 =	simm.s32 $_scs_section_size  }
0x12: {  	s5 =	simm.s32 $_size__tile_overlayer_lowered;
	s6 =	simm.s32 $_tile_overlayer_lowered  }
0x13: {  	s23 =	simm.s32 $0x1BFF;
	s22 =	sshll.u32 s6, $0x1;
	s3 =	sadd.s32 s4, s20  }
0x14: {  	s7 =	simm.s32 $0x0;
	s21 =	sshll.u32 s5, $0x1;
	s5 =	sadd.s32 s22, s3  }
0x15: {  	[timem:s7], [sflag:s23] =	dma.local [hbm:s5], s21  }
0x16: {  	_ =	swait.ge [sflag:s23], s21  }
0x17: {  	s4 =	ssub.s32 $0x0, s21;
	[sflag:s23] =	ssyncset.done $0x0  }
0x18: {  	[sflag:s23] =	ssyncadd.s32 s4;
	_ =	sdelay $0x1  }
0x19: {  	s24 =	simm.s32 $0x1B8B  }
0x1a: {  	_ =	swait.ge [sflag:s24], $0x1  }
0x1b: {  	[sflag:s24] =	ssyncset.done $0x0  }
0x1c: {  	s26 =	simm.s32 $0x1B8E;
	s25 =	sld [smem:$0x3FFE];
	[sflag:s24] =	ssyncadd.s32 $0xFFFFFFFF  }
0x1d: {  	s27 =	simm.s32 $execute0_lowered;
	[smem:$0x3FD2] =	sst s26  }
0x1e: {  	s5 =	sshll.u32 s27, $0x1;
	_ =	strace $0x80000049;
	[dreg:$0x1] =	wrdreg $0xFFFFFFFF  }
0x1f: {  	s28 =	simm.s32 $_size_execute0_lowered;
	s3 =	sadd.s32 s3, s5;
	[dreg:$0x0] =	wrdreg $0x0  }
0x20: {  	s5 =	sshll.u32 s28, $0x1;
	[dreg:$0x2] =	wrdreg s3  }
0x21: {  	[dreg:$0x3] =	wrdreg s5  }
0x22: {  	[dreg:$0x4] =	wrdreg $0xC0  }
0x23: {  	_ =	task [dreg:s7], $0x5FFFF  }
0x24: {  	[dreg:$0x1] =	wrdreg $0xFFFFFFFF  }
0x25: {  	[dreg:$0x0] =	wrdreg $0x60  }
0x26: {  	[dreg:$0x2] =	wrdreg s25  }
0x27: {  	[dreg:$0x3] =	wrdreg s2  }
0x28: {  	[dreg:$0x4] =	wrdreg $0x9  }
0x29: {  	_ =	task.clear_ibuf [dreg:s7], $0x5FFFF;
	_ =	strace $0x90000049  }
0x2a: {  	s29 =	simm.s32 $0x9;
	_ =	strace $0x8000004B  }
0x2b: {  	_ =	swait.ge [sflag:s29], $0x1  }
0x2c: {  	[sflag:s29] =	ssyncadd.s32 $0xFFFFFFFF  }
0x2d: {  	_ =	strace $0x9000004B  }
0x2e: {  	_ =	sfence  }
0x2f: {  	s30 =	sld [smem:$0x0];
	_ =	sdelay $0x2  }
0x30: {  	s31 =	sshll.u32 s1, $0xD;
	s1 =	sshrl.u32 s1, $0x2  }
0x31: {  	s3 =	sand.u32 $0x4000, s31;
	s1 =	sadd.s32 s1, s30  }
0x32: {  	s0 =	sor.u32 s3, s0;
	s1 =	sshll.u32 s1, $0x11  }
0x33: {  	s0 =	sor.u32 s1, s0  }
0x34: {  	s0 =	sadd.s32 $0x8F2B, s0  }
0x35: {  	[sflag:s0] =	ssyncadd.remote.s32 $0x1  }
0x36: {  	_ =	sfence.sel $0xFFFF  }
0x37: {  	[dreg:$0x0] =	wrdreg $0xFFFFFFFF;
	(pc) =	sbr.abs _section_cstart, $3  }
0x38: {  	[dreg:$0x1] =	wrdreg $0xFFFFFFFF  }
0x39: {  	_ =	task.clear_ibuf [dreg:s7], $0x2FFFF;
	_ =	strace $0x9FFFFFFF  }
0x3a: {  	(tm) =	ssettm $0x7FFFFFFF  }
0x3b: {  	_ =	shalt  }
tec
execute0_lowered:
.L_overlay_start_1:
0x0: {  	(tag) =	ssettag $0x1  }
0x1: {  	s7 =	rddreg [dreg:$0x0]  }
0x2: {  	s2 =	rddreg [dreg:$0x1]  }
0x3: {  	s0 =	stileid.u32;
	s1 =	srdreg.scid;
	s31 =	simm.s32 $0x2  }
0x4: {  	s14 =	simm.s32 $0x0;
	s15 =	simm.s32 $0x0;
	s13 =	simm.s32 $0x0  }
0x5: {  	s3 =	sshll.u32 s0, $0x5;
	s4 =	sshll.u32 s1, $0x9;
	s5 =	sshll.u32 s0, $0x1  }
0x6: {  	s1 =	rddreg [dreg:$0x2];
	s4 =	sor.u32 s3, s4;
	s3 =	sand.u32 $0x6, s5  }
0x7: {  	_ =	strace $0x8000004A;
	s4 =	sand.u32 $0x380, s4;
	s5 =	ssub.s32 $0xC8, s3  }
0x8: {  	s12 =	smov.u32 s3;
	s8 =	sshll.u32 s4, $0x4;
	s6 =	sand.u32 $0x6, s5  }
0x9: {  	s9 =	ssub.s32 $0x400, s4;
	s11 =	sshrl.u32 s5, $0x3;
	s5 =	simm.s32 $0x1  }
0xa: {  	p0 =	sne.s32 s6, $0x0;
	s6 =	simm.s32 $0x1;
	s10 =	sand.u32 $0x380, s9  }
0xb: {  	s6 =	simm.s32 @!p0 $0x0;
	p0 =	sne.s32 s10, $0x0;
	s10 =	simm.s32 $0x1  }
.Ltmp0:
0xc: {  	s9 =	sshrl.u32 s9, $0xA;
	s10 =	simm.s32 @!p0 $0x0;
	(pc) =	sbr.rel .LBB1_1-.Ltmp0, $4  }
0xd: {  	[sflag:s5] =	ssyncpa.u1 $0x0;
	s6 =	sadd.s32 s6, s11;
	s9 =	sadd.s32 s10, s9  }
0xe: {  	s8 =	sadd.s32 s8, s7;
	[sflag:s31] =	ssyncpa.u1 $0x0;
	s6 =	smul.u32 s6, s9  }
0xf: {  	s7 =	sadd.s32 $0x800, s8;
	s8 =	sadd.s32 $0x4800, s8;
	p0 =	por $0x0, $0x0  }
0x10: {  	s11 =	simm.s32 $0x2000;
	s10 =	simm.s32 $0x400;
	s9 =	sadd.s32 $0x1, s6  }
.LBB1_7:
0x11: {  	s16 =	sadd.s32 $0x8, s12  }
0x12: {  	p2 =	sgt.s32 s16, $0xC7  }
0x13: {  	s16 =	smov.u32 @p2 s3;
	p2 =	sne.s32 s13, s9  }
.Ltmp1:
0x14: {  	p1 =	slt.u32 s13, $0x2;
	(pc) =	sbr.rel @!p2 .LBB1_8-.Ltmp1, $4  }
0x15: {  	s14 =	simm.s32 @!p1 $0x2  }
0x16: {  	s17 =	sadd.s32 $0x1, s13;
	s15 =	smov.u32 s12;
	_ =	swait.ge @!p1 [sflag:s14], $0x4000  }
0x17: {  	p0 =	por !p0, !p0;
	s13 =	smov.u32 s17;
	[sflag:s14] =	ssyncset.done @!p1 $0x0  }
0x18: {  	s12 =	smov.u32 s16;
	[sflag:s14] =	ssyncadd.s32 @!p1 $0xFFFFC000;
	s14 =	smov.u32 s4  }
.LBB1_1:
0x19: {  	p1 =	sge.u32 s13, s6  }
0x1a: {  	s16 =	sxor.u32 @!p1 $0xFFFFFFFF, s13  }
0x1b: {  	s17 =	sshll.u32 @!p1 s12, $0xE;
	s19 =	simm.s32 @!p1 $0x40;
	s16 =	sshll.u32 @!p1 s16, $0xE  }
0x1c: {  	s20 =	simm.s32 @!p1 $0x80;
	s18 =	sadd.s32 @!p1 s17, s7;
	s16 =	sand.u32 @!p1 $0x4000, s16  }
0x1d: {  	[tilespmem:s16], [sflag:$0x1] =	stream.strided.gather @!p1 [hbm4b:s18+s19], $0x2000, s20, s19, $0x38;
	[tilespmem:$0x10100] =	vst v63  }
0x1e: {  	s31 =	sadd.s32 $0xFFFFFFFF, s13;
	s17 =	sadd.s32 @!p1 s17, s8;
	s16 =	sor.u32 @!p1 $0x2000, s16  }
0x1f: {  	[tilespmem:s16], [sflag:$0x1] =	stream.strided.gather @!p1 [hbm4b:s17+s19], $0x2000, s20, s19, $0x38;
	[tilespmem:$0x10100] =	vst v63  }
0x20: {  	p1 =	sge.u32 s31, s6  }
.Ltmp2:
0x21: {  	_ = 	snop;
	(pc) =	sbr.rel @p1 .LBB1_7-.Ltmp2, $1  }
0x22: {  	_ =	sdelay $0x3  }
0x23: {  	s16 =	simm.s32 $0x1;
	s18 =	sand.u32 $0x1, s13  }
0x24: {  	_ =	swait.ge [sflag:s5], $0x4000;
	s16 =	simm.s32 @!p0 $0x0;
	s18 =	smul.u32 $0x10200, s18  }
0x25: {  	p2 =	por $0x1, $0x1;
	[sflag:s5] =	ssyncset.done $0x0;
	s17 =	smul.u32 $0x10200, s16  }
0x26: {  	s19 =	sshll.u32 s16, $0x10;
	[sflag:s5] =	ssyncadd.s32 $0xFFFFC000;
	s30 =	sshrl.u32 s18, $0x2  }
0x27: {  	s31 =	sshrl.u32 s19, $0x2;
	s19 =	simm.s32 $0x0;
	s17 =	sshrl.u32 s17, $0x2  }
0x28: {  	s16 =	sor.u32 $0x8000, s30;
	s18 =	sadd.s32 $0x20, s31;
	s17 =	sor.u32 $0x8000, s17  }
.LBB1_3:
0x29: {  	s20 =	sshll.u32 s19, $0xD  }
0x2a: {  	s20 =	sand.u32 $0x3FFFE000, s20  }
0x2b: {  	s22 =	sadd.s32 s20, s18  }
0x2c: {  	s31 =	smul.u32 $0x8100, s19;
	v3 =	vld [tilespmem:s22+$0x10]  }
0x2d: {  	v1 =	vld [tilespmem:s22+$0xFFFFFFF0]  }
0x2e: {  	s19 =	sshra.s32 s31, $0x2;
	v0 =	vld [tilespmem:s22+$0x0]  }
0x2f: {  	s19 =	sadd.s32 s19, s17;
	v2 =	vld [tilespmem:s22+$0xFFFFFFE0]  }
0x30: {  	s20 =	sadd.s32 $0x0, s19  }
0x31: {  	p1 =	por p2, p2;
	s21 =	simm.s32 $0x4;
	s22 =	sadd.s32 $0x40, s22;
	[tilespmem:s20+$0x1830 ss:$0x81] =	vst.msk $0xffff, v3  }
.LBB1_4:
0x32: {  	v3 =	vld [tilespmem:s22+$0x10];
	p2 =	sne.s32 s21, $0x1FC;
	[tilespmem:s20+$0x810 ss:$0x81] =	vst.msk $0xffff, v1;
	s23 =	smov.u32 s21;
	s21 =	sadd.s32 $0x4, s21  }
.Ltmp3:
0x33: {  	v1 =	vld [tilespmem:s22+$0xFFFFFFF0];
	[tilespmem:s20+$0x1020 ss:$0x81] =	vst.msk $0xffff, v0;
	(pc) =	sbr.rel @p2 .LBB1_4-.Ltmp3, $4  }
0x34: {  	v0 =	vld [tilespmem:s22+$0x0];
	[tilespmem:s20+$0x0 ss:$0x81] =	vst.msk $0xffff, v2  }
0x35: {  	s20 =	sshra.s32 s23, $0x2;
	v2 =	vld [tilespmem:s22+$0xFFFFFFE0]  }
0x36: {  	s20 =	sadd.s32 s20, s19  }
0x37: {  	s22 =	sadd.s32 $0x40, s22;
	[tilespmem:s20+$0x1830 ss:$0x81] =	vst.msk $0xffff, v3  }
.Ltmp4:
0x38: {  	(pc) =	sbr.rel @p1 .LBB1_3-.Ltmp4, $4  }
0x39: {  	_ = 	snop  }
0x3a: {  	[tilespmem:s20+$0x810 ss:$0x81] =	vst.msk $0xffff, v1  }
0x3b: {  	[tilespmem:s20+$0x1020 ss:$0x81] =	vst.msk $0xffff, v0  }
0x3c: {  	s19 =	simm.s32 $0x1;
	p2 =	por $0x0, $0x0;
	[tilespmem:s20+$0x0 ss:$0x81] =	vst.msk $0xffff, v2  }
.Ltmp5:
0x3d: {  	(pc) =	sbr.rel .LBB1_7-.Ltmp5, $4  }
0x3e: {  	_ = 	snop  }
0x3f: {  	s15 =	sshll.u32 s15, $0xD;
	s14 =	sadd.s32 s2, s14  }
0x40: {  	s14 =	sadd.s32 s15, s14  }
0x41: {  	[hbm4b:s14+s10] =	stream.strided.scatter [tilespmem:s16], [sflag:$0x2], $0x4000, s11, s10, $0x20;
	[tilespmem:$0x10100] =	vst v63  }
.LBB1_8:
0x42: {  	_ =	sfence.sel $0x180000  }
0x43: {  	s2 =	simm.s32 $0x1;
	[bflag:$0x0] =	sbarrier.arrive $0xFFFF  }
0x44: {  	s31 =	simm.s32 $0x2;
	[sflag:s2] =	ssyncpa.u1 $0x1  }
0x45: {  	[sflag:s31] =	ssyncpa.u1 $0x1  }
0x46: {  	p0 =	sne.s32 s0, $0x0;
	_ =	strace $0x9000004A  }
0x47: {  	s0 =	sadd.s32 @!p0 $0x100000, s1;
	[bflag:$0x2] =	sbarrier.arrive $0xFFFF  }
0x48: {  	[sflag:s0] =	ssyncadd.tile.s32 @!p0 $0x1;
	_ =	shalt  }
.Lfunc_end1:
_tile_overlayer_lowered:
.L_overlay_start_2:
0x49: {  	(tag) =	ssettag $0x2  }
0x4a: {  	s0 =	rddreg [dreg:$0x0];
	s2 =	stileid.u32  }
0x4b: {  	s1 =	rddreg [dreg:$0x1];
	p0 =	sne.s32 s2, $0x0  }
0x4c: {  	s3 =	rddreg [dreg:$0x2];
	[bflag:$0x3] =	sbarrier.arrive $0xFFFF;
	s2 =	simm.s32 @!p0 $0x1C01  }
0x4d: {  	[timem:s3], [sflag:s2] =	dma.local @!p0 [hbm:s0], s1  }
0x4e: {  	s0 =	simm.s32 @!p0 $0x1  }
0x4f: {  	_ =	swait.ge @!p0 [sflag:s0], s1  }
0x50: {  	s1 =	ssub.s32 @!p0 $0x0, s1;
	[sflag:s0] =	ssyncset.done @!p0 $0x0  }
0x51: {  	[sflag:s0] =	ssyncadd.s32 @!p0 s1  }
0x52: {  	[bflag:$0x3] =	sbarrier.arrive $0xFFFF  }
0x53: {  	_ =	shalt  }

</sc_bundles>
